<compile_context>
chip_gen: v7x
topology: tpu7x:2x2x1
jax: 0.10.2.dev20260603
libtpu: 0.0.44.dev20260713+nightly
codegen_flags: <defaults>
</compile_context>

<pallas_src>
import functools

import jax
import jax.numpy as jnp
from jax import lax
from jax.experimental import pallas as pl
from jax.experimental.pallas import tpu as pltpu
from jax.experimental.pallas import tpu_sc as plsc

_CLS_TOKEN_ID = 2
_LANES = 16


@functools.lru_cache(maxsize=None)
def _build_pooler(B, S, D):
    n_id_chunks = S // _LANES
    TAIL = min(256, S)
    n_tail_chunks = TAIL // _LANES
    H = D // 2
    n_h_chunks = H // _LANES
    mesh = plsc.VectorSubcoreMesh(
        core_axis_name="c", subcore_axis_name="s", num_cores=1,
        num_subcores=2 * B,
    )

    @functools.partial(
        pl.kernel,
        out_type=jax.ShapeDtypeStruct((B, D), jnp.float32),
        mesh=mesh,
        scratch_types=[
            pltpu.VMEM((S,), jnp.int32),
            pltpu.VMEM((H,), jnp.float32),
            pltpu.VMEM((H,), jnp.float32),
            pltpu.VMEM((TAIL,), jnp.int32),
            pltpu.VMEM((_LANES,), jnp.int32),
            pltpu.SemaphoreType.DMA,
            pltpu.SemaphoreType.DMA,
        ],
    )
    def pooler(
        emb_hbm, ids_hbm, rf_hbm, out_hbm,
        ids_v, row_v, acc_v, tail_v, rf_v, sem_a, sem_b,
    ):
        wid = lax.axis_index("s")

        @pl.when(wid < 2 * B)
        def _tile_body():
            b = wid // 2
            half = wid % 2
            dlo = half * H

            rf_dma = pltpu.async_copy(rf_hbm, rf_v.at[pl.ds(0, 1)], sem_a)
            tail_dma = pltpu.async_copy(
                ids_hbm.at[b, pl.ds(S - TAIL, TAIL)], tail_v, sem_b
            )

            tail_dma.wait()
            lanes = lax.iota(jnp.int32, _LANES)
            best = jnp.full((_LANES,), -1, jnp.int32)
            for c in range(n_tail_chunks):
                v = tail_v[pl.ds(c * _LANES, _LANES)]
                pos = lanes + (S - TAIL + c * _LANES)
                best = jnp.maximum(
                    best, jnp.where(v == _CLS_TOKEN_ID, pos, -1)
                )
            tail_idx = best[0]
            for lane in range(1, _LANES):
                tail_idx = jnp.maximum(tail_idx, best[lane])

            def full_scan():
                pltpu.sync_copy(ids_hbm.at[b], ids_v)

                def scan_body(i, acc):
                    v = ids_v[pl.ds(i * _LANES, _LANES)]
                    pos = lanes + i * _LANES
                    return jnp.maximum(
                        acc, jnp.where(v == _CLS_TOKEN_ID, pos, -1)
                    )

                full = lax.fori_loop(
                    0,
                    n_id_chunks - n_tail_chunks,
                    scan_body,
                    jnp.full((_LANES,), -1, jnp.int32),
                )
                e = full[0]
                for lane in range(1, _LANES):
                    e = jnp.maximum(e, full[lane])
                return e

            end_idx = lax.cond(tail_idx >= 0, lambda: tail_idx, full_scan)

            rf_dma.wait()
            rf = rf_v[...][0]

            @pl.when(rf == 0)
            def _zero_out():
                def zero_body(c, carry):
                    row_v[pl.ds(c * _LANES, _LANES)] = jnp.zeros(
                        (_LANES,), jnp.float32
                    )
                    return carry

                lax.fori_loop(0, n_h_chunks, zero_body, 0)
                pltpu.sync_copy(row_v, out_hbm.at[b, pl.ds(dlo, H)])

            @pl.when(jnp.logical_and(rf != 0, end_idx >= 0))
            def _gather_row():
                pltpu.sync_copy(
                    emb_hbm.at[b, end_idx, pl.ds(dlo, H)],
                    out_hbm.at[b, pl.ds(dlo, H)],
                )

            @pl.when(jnp.logical_and(rf != 0, end_idx < 0))
            def _weighted_mean():
                def zacc_body(c, carry):
                    acc_v[pl.ds(c * _LANES, _LANES)] = jnp.zeros(
                        (_LANES,), jnp.float32
                    )
                    return carry

                lax.fori_loop(0, n_h_chunks, zacc_body, 0)

                def row_body(j, carry):
                    pltpu.sync_copy(
                        emb_hbm.at[b, j, pl.ds(dlo, H)], row_v
                    )
                    w = (j + 1).astype(jnp.float32)

                    def acc_body(c, inner):
                        sl = pl.ds(c * _LANES, _LANES)
                        acc_v[sl] = acc_v[sl] + row_v[sl] * w
                        return inner

                    lax.fori_loop(0, n_h_chunks, acc_body, 0)
                    return carry

                lax.fori_loop(0, S, row_body, 0)
                inv = jnp.float32(1.0 / S)

                def scale_body(c, carry):
                    sl = pl.ds(c * _LANES, _LANES)
                    acc_v[sl] = acc_v[sl] * inv
                    return carry

                lax.fori_loop(0, n_h_chunks, scale_body, 0)
                pltpu.sync_copy(acc_v, out_hbm.at[b, pl.ds(dlo, H)])

    return pooler


def kernel(embeddings, input_ids, return_final):
    B, S, D = embeddings.shape
    pooler = _build_pooler(B, S, D)
    rf1 = jnp.reshape(jnp.asarray(return_final, jnp.int32), (1,))
    return pooler(
        embeddings.astype(jnp.float32), input_ids.astype(jnp.int32), rf1
    )

# --- scband reference (transcript-rebuilt; emitter-appended) ---
"""Pipeline reference for scband-lswtembedding-pooler-24592982737000 (READ-ONLY COPY).

The authoritative reference and input builder live on the scoring server;
editing this copy changes nothing except your own understanding.
"""

import jax, jax.numpy as jnp
import numpy as np

CLS_TOKEN_ID = 2


def _group_cumsum(x, reset_mask):
    # x: [B, S, D] float, reset_mask: [B, S] bool
    s = jnp.cumsum(x, axis=1)
    prime = s - x
    idx = jnp.arange(x.shape[1])[None, :] * reset_mask.astype(jnp.int32)
    idx = jax.lax.cummax(idx, axis=1)[..., None]  # [B, S, 1]
    return s - jnp.take_along_axis(prime, idx, axis=1)


def group_cummean_weighted(embeddings, reset_mask):
    x = embeddings.astype(jnp.float32)
    ones = jnp.ones(reset_mask.shape, dtype=jnp.float32)[..., None]
    scale = _group_cumsum(ones, reset_mask)
    out = _group_cumsum(x * scale, reset_mask) / scale
    return out.astype(embeddings.dtype)


def setup_inputs(seed: int = 0) -> dict:
    key = jax.random.key(seed)
    k1, k2 = jax.random.split(key)
    embeddings = jax.random.normal(k1, (4, 8192, 1024), dtype=jnp.float32)
    input_ids = jax.random.randint(k2, (4, 8192), 0, 50)
    return {"embeddings": embeddings, "input_ids": input_ids, "return_final": 1}


def reference(embeddings, input_ids, return_final):
    reset_mask = input_ids == CLS_TOKEN_ID
    emb = group_cummean_weighted(embeddings, reset_mask)
    B, S = input_ids.shape
    batch_ids = jnp.arange(B)
    seq_ids = jnp.arange(S)
    end_idx = jnp.max(jnp.where(reset_mask, seq_ids[None, :], -1), axis=-1)
    final = emb[batch_ids, end_idx]
    return jnp.where(return_final != 0, final, jnp.zeros_like(final))

if __name__ == "__main__":
    import jax
    _d = setup_inputs()
    print(jax.jit(kernel)(*tuple(_d.values())))

</pallas_src>

<mosaic_0001>
#map = affine_map<(d0, d1) -> (0, 0, 0)>
#map1 = affine_map<(d0, d1) -> (0, 0)>
#map2 = affine_map<(d0, d1) -> (0)>
module attributes {stable_mosaic.version = 14 : i64} {
  func.func @pooler(%arg0: i32, %arg1: i32, %arg2: memref<4x8192x1024xf32, #tpu.memory_space<hbm>>, %arg3: memref<4x8192xi32, #tpu.memory_space<hbm>>, %arg4: memref<1xi32, #tpu.memory_space<hbm>>, %arg5: memref<4x1024xf32, #tpu.memory_space<hbm>>, %arg6: memref<8192xi32, #tpu.memory_space<vmem>>, %arg7: memref<512xf32, #tpu.memory_space<vmem>>, %arg8: memref<512xf32, #tpu.memory_space<vmem>>, %arg9: memref<256xi32, #tpu.memory_space<vmem>>, %arg10: memref<16xi32, #tpu.memory_space<vmem>>, %arg11: memref<!tpu.dma_semaphore, #tpu.memory_space<semaphore_mem>>, %arg12: memref<!tpu.dma_semaphore, #tpu.memory_space<semaphore_mem>>) attributes {dimension_semantics = [#tpu.dimension_semantics<core_parallel>, #tpu.dimension_semantics<subcore_parallel>], iteration_bounds = array<i64: 1, 8>, scalar_prefetch = 0 : i64, scratch_operands = 7 : i64, tpu.core_type = #tpu.core_type<sc_vector_subcore>, window_params = [{transform_indices = #map}, {transform_indices = #map1}, {transform_indices = #map2}, {transform_indices = #map1}]} {
    %lt3A = arith.constant 8 : i32
    %lt3A_0 = arith.cmpi slt, %arg1, %lt3A : i32
    %convert_element_type3A = arith.extui %lt3A_0 : i1 to i32
    %cond3A = arith.constant 0 : i32
    %cond3A_1 = arith.cmpi ne, %convert_element_type3A, %cond3A : i32
    scf.if %cond3A_1 {
      %jit3A = arith.constant 2 : i32
      %div3A = arith.divsi %arg1, %jit3A : i32
      %sign3A = arith.constant 0 : i32
      %sign3A_2 = arith.cmpi sgt, %arg1, %sign3A : i32
      %sign3A_3 = arith.extui %sign3A_2 : i1 to i32
      %sign3A_4 = arith.constant 0 : i32
      %sign3A_5 = arith.cmpi slt, %arg1, %sign3A_4 : i32
      %sign3A_6 = arith.extui %sign3A_5 : i1 to i32
      %sign3A_7 = arith.subi %sign3A_3, %sign3A_6 : i32
      %sign3A_8 = arith.constant 0 : i32
      %sign3A_9 = arith.cmpi sgt, %jit3A, %sign3A_8 : i32
      %sign3A_10 = arith.extui %sign3A_9 : i1 to i32
      %sign3A_11 = arith.constant 0 : i32
      %sign3A_12 = arith.cmpi slt, %jit3A, %sign3A_11 : i32
      %sign3A_13 = arith.extui %sign3A_12 : i1 to i32
      %sign3A_14 = arith.subi %sign3A_10, %sign3A_13 : i32
      %ne3A = arith.cmpi ne, %sign3A_7, %sign3A_14 : i32
      %rem3A = arith.remsi %arg1, %jit3A : i32
      %ne3A_15 = arith.constant 0 : i32
      %ne3A_16 = arith.cmpi ne, %rem3A, %ne3A_15 : i32
      %and3A = arith.andi %ne3A, %ne3A_16 : i1
      %sub3A = arith.constant 1 : i32
      %sub3A_17 = arith.subi %div3A, %sub3A : i32
      %select_n3A = arith.select %and3A, %sub3A_17, %div3A : i32
      %jit3A_18 = arith.constant 2 : i32
      %eq3A = arith.constant 0 : i32
      %eq3A_19 = arith.cmpi eq, %jit3A_18, %eq3A : i32
      %jit3A_20 = arith.constant 1 : i32
      %select_n3A_21 = arith.select %eq3A_19, %jit3A_20, %jit3A_18 : i32
      %rem3A_22 = arith.remsi %arg1, %select_n3A_21 : i32
      %ne3A_23 = arith.constant 0 : i32
      %ne3A_24 = arith.cmpi ne, %rem3A_22, %ne3A_23 : i32
      %lt3A_25 = arith.constant 0 : i32
      %lt3A_26 = arith.cmpi slt, %rem3A_22, %lt3A_25 : i32
      %lt3A_27 = arith.constant 0 : i32
      %lt3A_28 = arith.cmpi slt, %select_n3A_21, %lt3A_27 : i32
      %ne3A_29 = arith.xori %lt3A_26, %lt3A_28 : i1
      %and3A_30 = arith.andi %ne3A_29, %ne3A_24 : i1
      %add3A = arith.addi %rem3A_22, %select_n3A_21 : i32
      %select_n3A_31 = arith.select %and3A_30, %add3A, %rem3A_22 : i32
      %mul3A = arith.constant 512 : i32
      %mul3A_32 = arith.muli %select_n3A_31, %mul3A : i32
      %dma_start3A = arith.constant 0 : i32
      %dma_start3A_33 = tpu.memref_slice %arg10[%dma_start3A] : memref<16xi32, #tpu.memory_space<vmem>> -> memref<1xi32, #tpu.memory_space<vmem>>
      %dma_start3A_34 = arith.constant 0 : i32
      %dma_start3A_35 = tpu.memref_slice %arg10[%dma_start3A_34] : memref<16xi32, #tpu.memory_space<vmem>> -> memref<1xi32, #tpu.memory_space<vmem>>
      tpu.enqueue_dma source(%arg4 : memref<1xi32, #tpu.memory_space<hbm>>) target(%dma_start3A_35 : memref<1xi32, #tpu.memory_space<vmem>>) target_semaphore(%arg11 : memref<!tpu.dma_semaphore, #tpu.memory_space<semaphore_mem>>)
      %dma_start3A_36 = arith.constant 7936 : i32
      %dma_start3A_37 = tpu.memref_slice %arg3[%select_n3A, %dma_start3A_36] : memref<4x8192xi32, #tpu.memory_space<hbm>> -> memref<1x256xi32, #tpu.memory_space<hbm>>
      %dma_start3A_38 = tpu.memref_squeeze %dma_start3A_37 : memref<1x256xi32, #tpu.memory_space<hbm>> -> memref<256xi32, #tpu.memory_space<hbm>>
      %dma_start3A_39 = arith.constant 7936 : i32
      %dma_start3A_40 = tpu.memref_slice %arg3[%select_n3A, %dma_start3A_39] : memref<4x8192xi32, #tpu.memory_space<hbm>> -> memref<1x256xi32, #tpu.memory_space<hbm>>
      %dma_start3A_41 = tpu.memref_squeeze %dma_start3A_40 : memref<1x256xi32, #tpu.memory_space<hbm>> -> memref<256xi32, #tpu.memory_space<hbm>>
      tpu.enqueue_dma source(%dma_start3A_41 : memref<256xi32, #tpu.memory_space<hbm>>) target(%arg9 : memref<256xi32, #tpu.memory_space<vmem>>) target_semaphore(%arg12 : memref<!tpu.dma_semaphore, #tpu.memory_space<semaphore_mem>>)
      %dma_wait3A = arith.constant 7936 : i32
      %dma_wait3A_42 = tpu.memref_slice %arg3[%select_n3A, %dma_wait3A] : memref<4x8192xi32, #tpu.memory_space<hbm>> -> memref<1x256xi32, #tpu.memory_space<hbm>>
      %dma_wait3A_43 = tpu.memref_squeeze %dma_wait3A_42 : memref<1x256xi32, #tpu.memory_space<hbm>> -> memref<256xi32, #tpu.memory_space<hbm>>
      %dma_wait3A_44 = arith.constant 7936 : i32
      %dma_wait3A_45 = tpu.memref_slice %arg3[%select_n3A, %dma_wait3A_44] : memref<4x8192xi32, #tpu.memory_space<hbm>> -> memref<1x256xi32, #tpu.memory_space<hbm>>
      %dma_wait3A_46 = tpu.memref_squeeze %dma_wait3A_45 : memref<1x256xi32, #tpu.memory_space<hbm>> -> memref<256xi32, #tpu.memory_space<hbm>>
      tpu.wait_dma2 semaphore(%arg12 : memref<!tpu.dma_semaphore, #tpu.memory_space<semaphore_mem>>) src(%dma_wait3A_46 : memref<256xi32, #tpu.memory_space<hbm>>) dst(%arg9 : memref<256xi32, #tpu.memory_space<vmem>>)
      %iota3A = tpu.iota {dimensions = array<i32: 0>} : vector<16xi32>
      %broadcast_in_dim3A = arith.constant -1 : i32
      %broadcast_in_dim3A_47 = vector.broadcast %broadcast_in_dim3A : i32 to vector<16xi32>
      %get3A = arith.constant 0 : index
      %get3A_48 = tpu.vector_load %arg9[%get3A] {strides = array<i32>} : memref<256xi32, #tpu.memory_space<vmem>>, vector<16xi32>,
      %get3A_49 = vector.shape_cast %get3A_48 : vector<16xi32> to vector<16xi32>
      %add3A_50 = arith.constant 7936 : i32
      %add3A_51 = vector.broadcast %add3A_50 : i32 to vector<16xi32>
      %add3A_52 = arith.addi %iota3A, %add3A_51 : vector<16xi32>
      %eq3A_53 = arith.constant 2 : i32
      %eq3A_54 = vector.broadcast %eq3A_53 : i32 to vector<16xi32>
      %eq3A_55 = arith.cmpi eq, %get3A_49, %eq3A_54 : vector<16xi32>
      %jit3A_56 = arith.constant -1 : i32
      %broadcast_in_dim3A_57 = vector.broadcast %jit3A_56 : i32 to vector<16xi32>
      %select_n3A_58 = arith.select %eq3A_55, %add3A_52, %broadcast_in_dim3A_57 : vector<16xi1>, vector<16xi32>
      %max3A = arith.maxsi %broadcast_in_dim3A_47, %select_n3A_58 : vector<16xi32>
      %get3A_59 = arith.constant 16 : index
      %get3A_60 = tpu.vector_load %arg9[%get3A_59] {strides = array<i32>} : memref<256xi32, #tpu.memory_space<vmem>>, vector<16xi32>,
      %get3A_61 = vector.shape_cast %get3A_60 : vector<16xi32> to vector<16xi32>
      %add3A_62 = arith.constant 7952 : i32
      %add3A_63 = vector.broadcast %add3A_62 : i32 to vector<16xi32>
      %add3A_64 = arith.addi %iota3A, %add3A_63 : vector<16xi32>
      %eq3A_65 = arith.constant 2 : i32
      %eq3A_66 = vector.broadcast %eq3A_65 : i32 to vector<16xi32>
      %eq3A_67 = arith.cmpi eq, %get3A_61, %eq3A_66 : vector<16xi32>
      %jit3A_68 = arith.constant -1 : i32
      %broadcast_in_dim3A_69 = vector.broadcast %jit3A_68 : i32 to vector<16xi32>
      %select_n3A_70 = arith.select %eq3A_67, %add3A_64, %broadcast_in_dim3A_69 : vector<16xi1>, vector<16xi32>
      %max3A_71 = arith.maxsi %max3A, %select_n3A_70 : vector<16xi32>
      %get3A_72 = arith.constant 32 : index
      %get3A_73 = tpu.vector_load %arg9[%get3A_72] {strides = array<i32>} : memref<256xi32, #tpu.memory_space<vmem>>, vector<16xi32>,
      %get3A_74 = vector.shape_cast %get3A_73 : vector<16xi32> to vector<16xi32>
      %add3A_75 = arith.constant 7968 : i32
      %add3A_76 = vector.broadcast %add3A_75 : i32 to vector<16xi32>
      %add3A_77 = arith.addi %iota3A, %add3A_76 : vector<16xi32>
      %eq3A_78 = arith.constant 2 : i32
      %eq3A_79 = vector.broadcast %eq3A_78 : i32 to vector<16xi32>
      %eq3A_80 = arith.cmpi eq, %get3A_74, %eq3A_79 : vector<16xi32>
      %jit3A_81 = arith.constant -1 : i32
      %broadcast_in_dim3A_82 = vector.broadcast %jit3A_81 : i32 to vector<16xi32>
      %select_n3A_83 = arith.select %eq3A_80, %add3A_77, %broadcast_in_dim3A_82 : vector<16xi1>, vector<16xi32>
      %max3A_84 = arith.maxsi %max3A_71, %select_n3A_83 : vector<16xi32>
      %get3A_85 = arith.constant 48 : index
      %get3A_86 = tpu.vector_load %arg9[%get3A_85] {strides = array<i32>} : memref<256xi32, #tpu.memory_space<vmem>>, vector<16xi32>,
      %get3A_87 = vector.shape_cast %get3A_86 : vector<16xi32> to vector<16xi32>
      %add3A_88 = arith.constant 7984 : i32
      %add3A_89 = vector.broadcast %add3A_88 : i32 to vector<16xi32>
      %add3A_90 = arith.addi %iota3A, %add3A_89 : vector<16xi32>
      %eq3A_91 = arith.constant 2 : i32
      %eq3A_92 = vector.broadcast %eq3A_91 : i32 to vector<16xi32>
      %eq3A_93 = arith.cmpi eq, %get3A_87, %eq3A_92 : vector<16xi32>
      %jit3A_94 = arith.constant -1 : i32
      %broadcast_in_dim3A_95 = vector.broadcast %jit3A_94 : i32 to vector<16xi32>
      %select_n3A_96 = arith.select %eq3A_93, %add3A_90, %broadcast_in_dim3A_95 : vector<16xi1>, vector<16xi32>
      %max3A_97 = arith.maxsi %max3A_84, %select_n3A_96 : vector<16xi32>
      %get3A_98 = arith.constant 64 : index
      %get3A_99 = tpu.vector_load %arg9[%get3A_98] {strides = array<i32>} : memref<256xi32, #tpu.memory_space<vmem>>, vector<16xi32>,
      %get3A_100 = vector.shape_cast %get3A_99 : vector<16xi32> to vector<16xi32>
      %add3A_101 = arith.constant 8000 : i32
      %add3A_102 = vector.broadcast %add3A_101 : i32 to vector<16xi32>
      %add3A_103 = arith.addi %iota3A, %add3A_102 : vector<16xi32>
      %eq3A_104 = arith.constant 2 : i32
      %eq3A_105 = vector.broadcast %eq3A_104 : i32 to vector<16xi32>
      %eq3A_106 = arith.cmpi eq, %get3A_100, %eq3A_105 : vector<16xi32>
      %jit3A_107 = arith.constant -1 : i32
      %broadcast_in_dim3A_108 = vector.broadcast %jit3A_107 : i32 to vector<16xi32>
      %select_n3A_109 = arith.select %eq3A_106, %add3A_103, %broadcast_in_dim3A_108 : vector<16xi1>, vector<16xi32>
      %max3A_110 = arith.maxsi %max3A_97, %select_n3A_109 : vector<16xi32>
      %get3A_111 = arith.constant 80 : index
      %get3A_112 = tpu.vector_load %arg9[%get3A_111] {strides = array<i32>} : memref<256xi32, #tpu.memory_space<vmem>>, vector<16xi32>,
      %get3A_113 = vector.shape_cast %get3A_112 : vector<16xi32> to vector<16xi32>
      %add3A_114 = arith.constant 8016 : i32
      %add3A_115 = vector.broadcast %add3A_114 : i32 to vector<16xi32>
      %add3A_116 = arith.addi %iota3A, %add3A_115 : vector<16xi32>
      %eq3A_117 = arith.constant 2 : i32
      %eq3A_118 = vector.broadcast %eq3A_117 : i32 to vector<16xi32>
      %eq3A_119 = arith.cmpi eq, %get3A_113, %eq3A_118 : vector<16xi32>
      %jit3A_120 = arith.constant -1 : i32
      %broadcast_in_dim3A_121 = vector.broadcast %jit3A_120 : i32 to vector<16xi32>
      %select_n3A_122 = arith.select %eq3A_119, %add3A_116, %broadcast_in_dim3A_121 : vector<16xi1>, vector<16xi32>
      %max3A_123 = arith.maxsi %max3A_110, %select_n3A_122 : vector<16xi32>
      %get3A_124 = arith.constant 96 : index
      %get3A_125 = tpu.vector_load %arg9[%get3A_124] {strides = array<i32>} : memref<256xi32, #tpu.memory_space<vmem>>, vector<16xi32>,
      %get3A_126 = vector.shape_cast %get3A_125 : vector<16xi32> to vector<16xi32>
      %add3A_127 = arith.constant 8032 : i32
      %add3A_128 = vector.broadcast %add3A_127 : i32 to vector<16xi32>
      %add3A_129 = arith.addi %iota3A, %add3A_128 : vector<16xi32>
      %eq3A_130 = arith.constant 2 : i32
      %eq3A_131 = vector.broadcast %eq3A_130 : i32 to vector<16xi32>
      %eq3A_132 = arith.cmpi eq, %get3A_126, %eq3A_131 : vector<16xi32>
      %jit3A_133 = arith.constant -1 : i32
      %broadcast_in_dim3A_134 = vector.broadcast %jit3A_133 : i32 to vector<16xi32>
      %select_n3A_135 = arith.select %eq3A_132, %add3A_129, %broadcast_in_dim3A_134 : vector<16xi1>, vector<16xi32>
      %max3A_136 = arith.maxsi %max3A_123, %select_n3A_135 : vector<16xi32>
      %get3A_137 = arith.constant 112 : index
      %get3A_138 = tpu.vector_load %arg9[%get3A_137] {strides = array<i32>} : memref<256xi32, #tpu.memory_space<vmem>>, vector<16xi32>,
      %get3A_139 = vector.shape_cast %get3A_138 : vector<16xi32> to vector<16xi32>
      %add3A_140 = arith.constant 8048 : i32
      %add3A_141 = vector.broadcast %add3A_140 : i32 to vector<16xi32>
      %add3A_142 = arith.addi %iota3A, %add3A_141 : vector<16xi32>
      %eq3A_143 = arith.constant 2 : i32
      %eq3A_144 = vector.broadcast %eq3A_143 : i32 to vector<16xi32>
      %eq3A_145 = arith.cmpi eq, %get3A_139, %eq3A_144 : vector<16xi32>
      %jit3A_146 = arith.constant -1 : i32
      %broadcast_in_dim3A_147 = vector.broadcast %jit3A_146 : i32 to vector<16xi32>
      %select_n3A_148 = arith.select %eq3A_145, %add3A_142, %broadcast_in_dim3A_147 : vector<16xi1>, vector<16xi32>
      %max3A_149 = arith.maxsi %max3A_136, %select_n3A_148 : vector<16xi32>
      %get3A_150 = arith.constant 128 : index
      %get3A_151 = tpu.vector_load %arg9[%get3A_150] {strides = array<i32>} : memref<256xi32, #tpu.memory_space<vmem>>, vector<16xi32>,
      %get3A_152 = vector.shape_cast %get3A_151 : vector<16xi32> to vector<16xi32>
      %add3A_153 = arith.constant 8064 : i32
      %add3A_154 = vector.broadcast %add3A_153 : i32 to vector<16xi32>
      %add3A_155 = arith.addi %iota3A, %add3A_154 : vector<16xi32>
      %eq3A_156 = arith.constant 2 : i32
      %eq3A_157 = vector.broadcast %eq3A_156 : i32 to vector<16xi32>
      %eq3A_158 = arith.cmpi eq, %get3A_152, %eq3A_157 : vector<16xi32>
      %jit3A_159 = arith.constant -1 : i32
      %broadcast_in_dim3A_160 = vector.broadcast %jit3A_159 : i32 to vector<16xi32>
      %select_n3A_161 = arith.select %eq3A_158, %add3A_155, %broadcast_in_dim3A_160 : vector<16xi1>, vector<16xi32>
      %max3A_162 = arith.maxsi %max3A_149, %select_n3A_161 : vector<16xi32>
      %get3A_163 = arith.constant 144 : index
      %get3A_164 = tpu.vector_load %arg9[%get3A_163] {strides = array<i32>} : memref<256xi32, #tpu.memory_space<vmem>>, vector<16xi32>,
      %get3A_165 = vector.shape_cast %get3A_164 : vector<16xi32> to vector<16xi32>
      %add3A_166 = arith.constant 8080 : i32
      %add3A_167 = vector.broadcast %add3A_166 : i32 to vector<16xi32>
      %add3A_168 = arith.addi %iota3A, %add3A_167 : vector<16xi32>
      %eq3A_169 = arith.constant 2 : i32
      %eq3A_170 = vector.broadcast %eq3A_169 : i32 to vector<16xi32>
      %eq3A_171 = arith.cmpi eq, %get3A_165, %eq3A_170 : vector<16xi32>
      %jit3A_172 = arith.constant -1 : i32
      %broadcast_in_dim3A_173 = vector.broadcast %jit3A_172 : i32 to vector<16xi32>
      %select_n3A_174 = arith.select %eq3A_171, %add3A_168, %broadcast_in_dim3A_173 : vector<16xi1>, vector<16xi32>
      %max3A_175 = arith.maxsi %max3A_162, %select_n3A_174 : vector<16xi32>
      %get3A_176 = arith.constant 160 : index
      %get3A_177 = tpu.vector_load %arg9[%get3A_176] {strides = array<i32>} : memref<256xi32, #tpu.memory_space<vmem>>, vector<16xi32>,
      %get3A_178 = vector.shape_cast %get3A_177 : vector<16xi32> to vector<16xi32>
      %add3A_179 = arith.constant 8096 : i32
      %add3A_180 = vector.broadcast %add3A_179 : i32 to vector<16xi32>
      %add3A_181 = arith.addi %iota3A, %add3A_180 : vector<16xi32>
      %eq3A_182 = arith.constant 2 : i32
      %eq3A_183 = vector.broadcast %eq3A_182 : i32 to vector<16xi32>
      %eq3A_184 = arith.cmpi eq, %get3A_178, %eq3A_183 : vector<16xi32>
      %jit3A_185 = arith.constant -1 : i32
      %broadcast_in_dim3A_186 = vector.broadcast %jit3A_185 : i32 to vector<16xi32>
      %select_n3A_187 = arith.select %eq3A_184, %add3A_181, %broadcast_in_dim3A_186 : vector<16xi1>, vector<16xi32>
      %max3A_188 = arith.maxsi %max3A_175, %select_n3A_187 : vector<16xi32>
      %get3A_189 = arith.constant 176 : index
      %get3A_190 = tpu.vector_load %arg9[%get3A_189] {strides = array<i32>} : memref<256xi32, #tpu.memory_space<vmem>>, vector<16xi32>,
      %get3A_191 = vector.shape_cast %get3A_190 : vector<16xi32> to vector<16xi32>
      %add3A_192 = arith.constant 8112 : i32
      %add3A_193 = vector.broadcast %add3A_192 : i32 to vector<16xi32>
      %add3A_194 = arith.addi %iota3A, %add3A_193 : vector<16xi32>
      %eq3A_195 = arith.constant 2 : i32
      %eq3A_196 = vector.broadcast %eq3A_195 : i32 to vector<16xi32>
      %eq3A_197 = arith.cmpi eq, %get3A_191, %eq3A_196 : vector<16xi32>
      %jit3A_198 = arith.constant -1 : i32
      %broadcast_in_dim3A_199 = vector.broadcast %jit3A_198 : i32 to vector<16xi32>
      %select_n3A_200 = arith.select %eq3A_197, %add3A_194, %broadcast_in_dim3A_199 : vector<16xi1>, vector<16xi32>
      %max3A_201 = arith.maxsi %max3A_188, %select_n3A_200 : vector<16xi32>
      %get3A_202 = arith.constant 192 : index
      %get3A_203 = tpu.vector_load %arg9[%get3A_202] {strides = array<i32>} : memref<256xi32, #tpu.memory_space<vmem>>, vector<16xi32>,
      %get3A_204 = vector.shape_cast %get3A_203 : vector<16xi32> to vector<16xi32>
      %add3A_205 = arith.constant 8128 : i32
      %add3A_206 = vector.broadcast %add3A_205 : i32 to vector<16xi32>
      %add3A_207 = arith.addi %iota3A, %add3A_206 : vector<16xi32>
      %eq3A_208 = arith.constant 2 : i32
      %eq3A_209 = vector.broadcast %eq3A_208 : i32 to vector<16xi32>
      %eq3A_210 = arith.cmpi eq, %get3A_204, %eq3A_209 : vector<16xi32>
      %jit3A_211 = arith.constant -1 : i32
      %broadcast_in_dim3A_212 = vector.broadcast %jit3A_211 : i32 to vector<16xi32>
      %select_n3A_213 = arith.select %eq3A_210, %add3A_207, %broadcast_in_dim3A_212 : vector<16xi1>, vector<16xi32>
      %max3A_214 = arith.maxsi %max3A_201, %select_n3A_213 : vector<16xi32>
      %get3A_215 = arith.constant 208 : index
      %get3A_216 = tpu.vector_load %arg9[%get3A_215] {strides = array<i32>} : memref<256xi32, #tpu.memory_space<vmem>>, vector<16xi32>,
      %get3A_217 = vector.shape_cast %get3A_216 : vector<16xi32> to vector<16xi32>
      %add3A_218 = arith.constant 8144 : i32
      %add3A_219 = vector.broadcast %add3A_218 : i32 to vector<16xi32>
      %add3A_220 = arith.addi %iota3A, %add3A_219 : vector<16xi32>
      %eq3A_221 = arith.constant 2 : i32
      %eq3A_222 = vector.broadcast %eq3A_221 : i32 to vector<16xi32>
      %eq3A_223 = arith.cmpi eq, %get3A_217, %eq3A_222 : vector<16xi32>
      %jit3A_224 = arith.constant -1 : i32
      %broadcast_in_dim3A_225 = vector.broadcast %jit3A_224 : i32 to vector<16xi32>
      %select_n3A_226 = arith.select %eq3A_223, %add3A_220, %broadcast_in_dim3A_225 : vector<16xi1>, vector<16xi32>
      %max3A_227 = arith.maxsi %max3A_214, %select_n3A_226 : vector<16xi32>
      %get3A_228 = arith.constant 224 : index
      %get3A_229 = tpu.vector_load %arg9[%get3A_228] {strides = array<i32>} : memref<256xi32, #tpu.memory_space<vmem>>, vector<16xi32>,
      %get3A_230 = vector.shape_cast %get3A_229 : vector<16xi32> to vector<16xi32>
      %add3A_231 = arith.constant 8160 : i32
      %add3A_232 = vector.broadcast %add3A_231 : i32 to vector<16xi32>
      %add3A_233 = arith.addi %iota3A, %add3A_232 : vector<16xi32>
      %eq3A_234 = arith.constant 2 : i32
      %eq3A_235 = vector.broadcast %eq3A_234 : i32 to vector<16xi32>
      %eq3A_236 = arith.cmpi eq, %get3A_230, %eq3A_235 : vector<16xi32>
      %jit3A_237 = arith.constant -1 : i32
      %broadcast_in_dim3A_238 = vector.broadcast %jit3A_237 : i32 to vector<16xi32>
      %select_n3A_239 = arith.select %eq3A_236, %add3A_233, %broadcast_in_dim3A_238 : vector<16xi1>, vector<16xi32>
      %max3A_240 = arith.maxsi %max3A_227, %select_n3A_239 : vector<16xi32>
      %get3A_241 = arith.constant 240 : index
      %get3A_242 = tpu.vector_load %arg9[%get3A_241] {strides = array<i32>} : memref<256xi32, #tpu.memory_space<vmem>>, vector<16xi32>,
      %get3A_243 = vector.shape_cast %get3A_242 : vector<16xi32> to vector<16xi32>
      %add3A_244 = arith.constant 8176 : i32
      %add3A_245 = vector.broadcast %add3A_244 : i32 to vector<16xi32>
      %add3A_246 = arith.addi %iota3A, %add3A_245 : vector<16xi32>
      %eq3A_247 = arith.constant 2 : i32
      %eq3A_248 = vector.broadcast %eq3A_247 : i32 to vector<16xi32>
      %eq3A_249 = arith.cmpi eq, %get3A_243, %eq3A_248 : vector<16xi32>
      %jit3A_250 = arith.constant -1 : i32
      %broadcast_in_dim3A_251 = vector.broadcast %jit3A_250 : i32 to vector<16xi32>
      %select_n3A_252 = arith.select %eq3A_249, %add3A_246, %broadcast_in_dim3A_251 : vector<16xi1>, vector<16xi32>
      %max3A_253 = arith.maxsi %max3A_240, %select_n3A_252 : vector<16xi32>
      %slice3A = vector.extract_strided_slice %max3A_253 {offsets = [0], sizes = [1], strides = [1]} : vector<16xi32> to vector<1xi32>
      %squeeze3A = vector.extract %slice3A[0] : i32 from vector<1xi32>
      %slice3A_254 = vector.extract_strided_slice %max3A_253 {offsets = [1], sizes = [1], strides = [1]} : vector<16xi32> to vector<1xi32>
      %squeeze3A_255 = vector.extract %slice3A_254[0] : i32 from vector<1xi32>
      %max3A_256 = arith.maxsi %squeeze3A, %squeeze3A_255 : i32
      %slice3A_257 = vector.extract_strided_slice %max3A_253 {offsets = [2], sizes = [1], strides = [1]} : vector<16xi32> to vector<1xi32>
      %squeeze3A_258 = vector.extract %slice3A_257[0] : i32 from vector<1xi32>
      %max3A_259 = arith.maxsi %max3A_256, %squeeze3A_258 : i32
      %slice3A_260 = vector.extract_strided_slice %max3A_253 {offsets = [3], sizes = [1], strides = [1]} : vector<16xi32> to vector<1xi32>
      %squeeze3A_261 = vector.extract %slice3A_260[0] : i32 from vector<1xi32>
      %max3A_262 = arith.maxsi %max3A_259, %squeeze3A_261 : i32
      %slice3A_263 = vector.extract_strided_slice %max3A_253 {offsets = [4], sizes = [1], strides = [1]} : vector<16xi32> to vector<1xi32>
      %squeeze3A_264 = vector.extract %slice3A_263[0] : i32 from vector<1xi32>
      %max3A_265 = arith.maxsi %max3A_262, %squeeze3A_264 : i32
      %slice3A_266 = vector.extract_strided_slice %max3A_253 {offsets = [5], sizes = [1], strides = [1]} : vector<16xi32> to vector<1xi32>
      %squeeze3A_267 = vector.extract %slice3A_266[0] : i32 from vector<1xi32>
      %max3A_268 = arith.maxsi %max3A_265, %squeeze3A_267 : i32
      %slice3A_269 = vector.extract_strided_slice %max3A_253 {offsets = [6], sizes = [1], strides = [1]} : vector<16xi32> to vector<1xi32>
      %squeeze3A_270 = vector.extract %slice3A_269[0] : i32 from vector<1xi32>
      %max3A_271 = arith.maxsi %max3A_268, %squeeze3A_270 : i32
      %slice3A_272 = vector.extract_strided_slice %max3A_253 {offsets = [7], sizes = [1], strides = [1]} : vector<16xi32> to vector<1xi32>
      %squeeze3A_273 = vector.extract %slice3A_272[0] : i32 from vector<1xi32>
      %max3A_274 = arith.maxsi %max3A_271, %squeeze3A_273 : i32
      %slice3A_275 = vector.extract_strided_slice %max3A_253 {offsets = [8], sizes = [1], strides = [1]} : vector<16xi32> to vector<1xi32>
      %squeeze3A_276 = vector.extract %slice3A_275[0] : i32 from vector<1xi32>
      %max3A_277 = arith.maxsi %max3A_274, %squeeze3A_276 : i32
      %slice3A_278 = vector.extract_strided_slice %max3A_253 {offsets = [9], sizes = [1], strides = [1]} : vector<16xi32> to vector<1xi32>
      %squeeze3A_279 = vector.extract %slice3A_278[0] : i32 from vector<1xi32>
      %max3A_280 = arith.maxsi %max3A_277, %squeeze3A_279 : i32
      %slice3A_281 = vector.extract_strided_slice %max3A_253 {offsets = [10], sizes = [1], strides = [1]} : vector<16xi32> to vector<1xi32>
      %squeeze3A_282 = vector.extract %slice3A_281[0] : i32 from vector<1xi32>
      %max3A_283 = arith.maxsi %max3A_280, %squeeze3A_282 : i32
      %slice3A_284 = vector.extract_strided_slice %max3A_253 {offsets = [11], sizes = [1], strides = [1]} : vector<16xi32> to vector<1xi32>
      %squeeze3A_285 = vector.extract %slice3A_284[0] : i32 from vector<1xi32>
      %max3A_286 = arith.maxsi %max3A_283, %squeeze3A_285 : i32
      %slice3A_287 = vector.extract_strided_slice %max3A_253 {offsets = [12], sizes = [1], strides = [1]} : vector<16xi32> to vector<1xi32>
      %squeeze3A_288 = vector.extract %slice3A_287[0] : i32 from vector<1xi32>
      %max3A_289 = arith.maxsi %max3A_286, %squeeze3A_288 : i32
      %slice3A_290 = vector.extract_strided_slice %max3A_253 {offsets = [13], sizes = [1], strides = [1]} : vector<16xi32> to vector<1xi32>
      %squeeze3A_291 = vector.extract %slice3A_290[0] : i32 from vector<1xi32>
      %max3A_292 = arith.maxsi %max3A_289, %squeeze3A_291 : i32
      %slice3A_293 = vector.extract_strided_slice %max3A_253 {offsets = [14], sizes = [1], strides = [1]} : vector<16xi32> to vector<1xi32>
      %squeeze3A_294 = vector.extract %slice3A_293[0] : i32 from vector<1xi32>
      %max3A_295 = arith.maxsi %max3A_292, %squeeze3A_294 : i32
      %slice3A_296 = vector.extract_strided_slice %max3A_253 {offsets = [15], sizes = [1], strides = [1]} : vector<16xi32> to vector<1xi32>
      %squeeze3A_297 = vector.extract %slice3A_296[0] : i32 from vector<1xi32>
      %max3A_298 = arith.maxsi %max3A_295, %squeeze3A_297 : i32
      %ge3A = arith.constant 0 : i32
      %ge3A_299 = arith.cmpi sge, %max3A_298, %ge3A : i32
      %convert_element_type3A_300 = arith.extui %ge3A_299 : i1 to i32
      %cond3A_301 = arith.constant 0 : i32
      %cond3A_302 = arith.cmpi ne, %convert_element_type3A_300, %cond3A_301 : i32
      %cond3A_303 = scf.if %cond3A_302 -> (i32) {
        scf.yield %max3A_298 : i32
      } else {
        "tpu.region"() ({
          %run_scoped3A = tpu.sem_alloc : memref<!tpu.dma_semaphore, #tpu.memory_space<semaphore_mem>>
          %dma_start3A_388 = arith.constant 0 : i32
          %dma_start3A_389 = tpu.memref_slice %arg3[%select_n3A, %dma_start3A_388] : memref<4x8192xi32, #tpu.memory_space<hbm>> -> memref<1x8192xi32, #tpu.memory_space<hbm>>
          %dma_start3A_390 = tpu.memref_squeeze %dma_start3A_389 : memref<1x8192xi32, #tpu.memory_space<hbm>> -> memref<8192xi32, #tpu.memory_space<hbm>>
          %dma_start3A_391 = arith.constant 0 : i32
          %dma_start3A_392 = tpu.memref_slice %arg3[%select_n3A, %dma_start3A_391] : memref<4x8192xi32, #tpu.memory_space<hbm>> -> memref<1x8192xi32, #tpu.memory_space<hbm>>
          %dma_start3A_393 = tpu.memref_squeeze %dma_start3A_392 : memref<1x8192xi32, #tpu.memory_space<hbm>> -> memref<8192xi32, #tpu.memory_space<hbm>>
          tpu.enqueue_dma source(%dma_start3A_393 : memref<8192xi32, #tpu.memory_space<hbm>>) target(%arg6 : memref<8192xi32, #tpu.memory_space<vmem>>) target_semaphore(%run_scoped3A : memref<!tpu.dma_semaphore, #tpu.memory_space<semaphore_mem>>)
          %dma_wait3A_394 = arith.constant 0 : i32
          %dma_wait3A_395 = tpu.memref_slice %arg3[%select_n3A, %dma_wait3A_394] : memref<4x8192xi32, #tpu.memory_space<hbm>> -> memref<1x8192xi32, #tpu.memory_space<hbm>>
          %dma_wait3A_396 = tpu.memref_squeeze %dma_wait3A_395 : memref<1x8192xi32, #tpu.memory_space<hbm>> -> memref<8192xi32, #tpu.memory_space<hbm>>
          %dma_wait3A_397 = arith.constant 0 : i32
          %dma_wait3A_398 = tpu.memref_slice %arg3[%select_n3A, %dma_wait3A_397] : memref<4x8192xi32, #tpu.memory_space<hbm>> -> memref<1x8192xi32, #tpu.memory_space<hbm>>
          %dma_wait3A_399 = tpu.memref_squeeze %dma_wait3A_398 : memref<1x8192xi32, #tpu.memory_space<hbm>> -> memref<8192xi32, #tpu.memory_space<hbm>>
          tpu.wait_dma2 semaphore(%run_scoped3A : memref<!tpu.dma_semaphore, #tpu.memory_space<semaphore_mem>>) src(%dma_wait3A_399 : memref<8192xi32, #tpu.memory_space<hbm>>) dst(%arg6 : memref<8192xi32, #tpu.memory_space<vmem>>)
          tpu.yield
        }) : () -> ()
        %broadcast_in_dim3A_334 = arith.constant -1 : i32
        %broadcast_in_dim3A_335 = vector.broadcast %broadcast_in_dim3A_334 : i32 to vector<16xi32>
        %scan3A = arith.constant 0 : i32
        %scan3A_336 = arith.constant 496 : i32
        %scan3A_337 = arith.addi %scan3A, %scan3A_336 : i32
        %scan3A_338 = arith.constant 1 : i32
        %scan3A_339 = scf.for %scan3A_388 = %scan3A to %scan3A_337 step %scan3A_338 iter_args(%scan3A_389 = %broadcast_in_dim3A_335) -> (vector<16xi32>)  : i32 {
          %mul3A_390 = arith.constant 16 : i32
          %mul3A_391 = arith.muli %scan3A_388, %mul3A_390 : i32
          %get3A_392 = arith.index_cast %mul3A_391 : i32 to index
          %get3A_393 = tpu.vector_load %arg6[%get3A_392] {strides = array<i32>} : memref<8192xi32, #tpu.memory_space<vmem>>, vector<16xi32>,
          %get3A_394 = vector.shape_cast %get3A_393 : vector<16xi32> to vector<16xi32>
          %mul3A_395 = arith.constant 16 : i32
          %mul3A_396 = arith.muli %scan3A_388, %mul3A_395 : i32
          %add3A_397 = vector.broadcast %mul3A_396 : i32 to vector<16xi32>
          %add3A_398 = arith.addi %iota3A, %add3A_397 : vector<16xi32>
          %eq3A_399 = arith.constant 2 : i32
          %eq3A_400 = vector.broadcast %eq3A_399 : i32 to vector<16xi32>
          %eq3A_401 = arith.cmpi eq, %get3A_394, %eq3A_400 : vector<16xi32>
          %jit3A_402 = arith.constant -1 : i32
          %broadcast_in_dim3A_403 = vector.broadcast %jit3A_402 : i32 to vector<16xi32>
          %select_n3A_404 = arith.select %eq3A_401, %add3A_398, %broadcast_in_dim3A_403 : vector<16xi1>, vector<16xi32>
          %max3A_405 = arith.maxsi %scan3A_389, %select_n3A_404 : vector<16xi32>
          scf.yield %max3A_405 : vector<16xi32>
        }
        %scan3A_340 = arith.constant 496 : i32
        %slice3A_341 = vector.extract_strided_slice %scan3A_339 {offsets = [0], sizes = [1], strides = [1]} : vector<16xi32> to vector<1xi32>
        %squeeze3A_342 = vector.extract %slice3A_341[0] : i32 from vector<1xi32>
        %slice3A_343 = vector.extract_strided_slice %scan3A_339 {offsets = [1], sizes = [1], strides = [1]} : vector<16xi32> to vector<1xi32>
        %squeeze3A_344 = vector.extract %slice3A_343[0] : i32 from vector<1xi32>
        %max3A_345 = arith.maxsi %squeeze3A_342, %squeeze3A_344 : i32
        %slice3A_346 = vector.extract_strided_slice %scan3A_339 {offsets = [2], sizes = [1], strides = [1]} : vector<16xi32> to vector<1xi32>
        %squeeze3A_347 = vector.extract %slice3A_346[0] : i32 from vector<1xi32>
        %max3A_348 = arith.maxsi %max3A_345, %squeeze3A_347 : i32
        %slice3A_349 = vector.extract_strided_slice %scan3A_339 {offsets = [3], sizes = [1], strides = [1]} : vector<16xi32> to vector<1xi32>
        %squeeze3A_350 = vector.extract %slice3A_349[0] : i32 from vector<1xi32>
        %max3A_351 = arith.maxsi %max3A_348, %squeeze3A_350 : i32
        %slice3A_352 = vector.extract_strided_slice %scan3A_339 {offsets = [4], sizes = [1], strides = [1]} : vector<16xi32> to vector<1xi32>
        %squeeze3A_353 = vector.extract %slice3A_352[0] : i32 from vector<1xi32>
        %max3A_354 = arith.maxsi %max3A_351, %squeeze3A_353 : i32
        %slice3A_355 = vector.extract_strided_slice %scan3A_339 {offsets = [5], sizes = [1], strides = [1]} : vector<16xi32> to vector<1xi32>
        %squeeze3A_356 = vector.extract %slice3A_355[0] : i32 from vector<1xi32>
        %max3A_357 = arith.maxsi %max3A_354, %squeeze3A_356 : i32
        %slice3A_358 = vector.extract_strided_slice %scan3A_339 {offsets = [6], sizes = [1], strides = [1]} : vector<16xi32> to vector<1xi32>
        %squeeze3A_359 = vector.extract %slice3A_358[0] : i32 from vector<1xi32>
        %max3A_360 = arith.maxsi %max3A_357, %squeeze3A_359 : i32
        %slice3A_361 = vector.extract_strided_slice %scan3A_339 {offsets = [7], sizes = [1], strides = [1]} : vector<16xi32> to vector<1xi32>
        %squeeze3A_362 = vector.extract %slice3A_361[0] : i32 from vector<1xi32>
        %max3A_363 = arith.maxsi %max3A_360, %squeeze3A_362 : i32
        %slice3A_364 = vector.extract_strided_slice %scan3A_339 {offsets = [8], sizes = [1], strides = [1]} : vector<16xi32> to vector<1xi32>
        %squeeze3A_365 = vector.extract %slice3A_364[0] : i32 from vector<1xi32>
        %max3A_366 = arith.maxsi %max3A_363, %squeeze3A_365 : i32
        %slice3A_367 = vector.extract_strided_slice %scan3A_339 {offsets = [9], sizes = [1], strides = [1]} : vector<16xi32> to vector<1xi32>
        %squeeze3A_368 = vector.extract %slice3A_367[0] : i32 from vector<1xi32>
        %max3A_369 = arith.maxsi %max3A_366, %squeeze3A_368 : i32
        %slice3A_370 = vector.extract_strided_slice %scan3A_339 {offsets = [10], sizes = [1], strides = [1]} : vector<16xi32> to vector<1xi32>
        %squeeze3A_371 = vector.extract %slice3A_370[0] : i32 from vector<1xi32>
        %max3A_372 = arith.maxsi %max3A_369, %squeeze3A_371 : i32
        %slice3A_373 = vector.extract_strided_slice %scan3A_339 {offsets = [11], sizes = [1], strides = [1]} : vector<16xi32> to vector<1xi32>
        %squeeze3A_374 = vector.extract %slice3A_373[0] : i32 from vector<1xi32>
        %max3A_375 = arith.maxsi %max3A_372, %squeeze3A_374 : i32
        %slice3A_376 = vector.extract_strided_slice %scan3A_339 {offsets = [12], sizes = [1], strides = [1]} : vector<16xi32> to vector<1xi32>
        %squeeze3A_377 = vector.extract %slice3A_376[0] : i32 from vector<1xi32>
        %max3A_378 = arith.maxsi %max3A_375, %squeeze3A_377 : i32
        %slice3A_379 = vector.extract_strided_slice %scan3A_339 {offsets = [13], sizes = [1], strides = [1]} : vector<16xi32> to vector<1xi32>
        %squeeze3A_380 = vector.extract %slice3A_379[0] : i32 from vector<1xi32>
        %max3A_381 = arith.maxsi %max3A_378, %squeeze3A_380 : i32
        %slice3A_382 = vector.extract_strided_slice %scan3A_339 {offsets = [14], sizes = [1], strides = [1]} : vector<16xi32> to vector<1xi32>
        %squeeze3A_383 = vector.extract %slice3A_382[0] : i32 from vector<1xi32>
        %max3A_384 = arith.maxsi %max3A_381, %squeeze3A_383 : i32
        %slice3A_385 = vector.extract_strided_slice %scan3A_339 {offsets = [15], sizes = [1], strides = [1]} : vector<16xi32> to vector<1xi32>
        %squeeze3A_386 = vector.extract %slice3A_385[0] : i32 from vector<1xi32>
        %max3A_387 = arith.maxsi %max3A_384, %squeeze3A_386 : i32
        scf.yield %max3A_387 : i32
      }
      %dma_wait3A_304 = arith.constant 0 : i32
      %dma_wait3A_305 = tpu.memref_slice %arg10[%dma_wait3A_304] : memref<16xi32, #tpu.memory_space<vmem>> -> memref<1xi32, #tpu.memory_space<vmem>>
      %dma_wait3A_306 = arith.constant 0 : i32
      %dma_wait3A_307 = tpu.memref_slice %arg10[%dma_wait3A_306] : memref<16xi32, #tpu.memory_space<vmem>> -> memref<1xi32, #tpu.memory_space<vmem>>
      tpu.wait_dma2 semaphore(%arg11 : memref<!tpu.dma_semaphore, #tpu.memory_space<semaphore_mem>>) src(%arg4 : memref<1xi32, #tpu.memory_space<hbm>>) dst(%dma_wait3A_307 : memref<1xi32, #tpu.memory_space<vmem>>)
      %get3A_308 = arith.constant 0 : index
      %get3A_309 = tpu.vector_load %arg10[%get3A_308] {strides = array<i32>} : memref<16xi32, #tpu.memory_space<vmem>>, vector<16xi32>,
      %get3A_310 = vector.shape_cast %get3A_309 : vector<16xi32> to vector<16xi32>
      %slice3A_311 = vector.extract_strided_slice %get3A_310 {offsets = [0], sizes = [1], strides = [1]} : vector<16xi32> to vector<1xi32>
      %squeeze3A_312 = vector.extract %slice3A_311[0] : i32 from vector<1xi32>
      %eq3A_313 = arith.constant 0 : i32
      %eq3A_314 = arith.cmpi eq, %squeeze3A_312, %eq3A_313 : i32
      %convert_element_type3A_315 = arith.extui %eq3A_314 : i1 to i32
      %cond3A_316 = arith.constant 0 : i32
      %cond3A_317 = arith.cmpi ne, %convert_element_type3A_315, %cond3A_316 : i32
      scf.if %cond3A_317 {
        %scan3A = arith.constant 0 : i32
        %scan3A_334 = arith.constant 0 : i32
        %scan3A_335 = arith.constant 32 : i32
        %scan3A_336 = arith.addi %scan3A_334, %scan3A_335 : i32
        %scan3A_337 = arith.constant 1 : i32
        scf.for %scan3A_339 = %scan3A_334 to %scan3A_336 step %scan3A_337  : i32 {
          %broadcast_in_dim3A_340 = arith.constant 0.000000e+00 : f32
          %broadcast_in_dim3A_341 = vector.broadcast %broadcast_in_dim3A_340 : f32 to vector<16xf32>
          %mul3A_342 = arith.constant 16 : i32
          %mul3A_343 = arith.muli %scan3A_339, %mul3A_342 : i32
          %swap3A = arith.index_cast %mul3A_343 : i32 to index
          %swap3A_344 = tpu.vector_load %arg7[%swap3A] {strides = array<i32>} : memref<512xf32, #tpu.memory_space<vmem>>, vector<16xf32>,
          %swap3A_345 = vector.shape_cast %swap3A_344 : vector<16xf32> to vector<16xf32>
          %swap3A_346 = vector.shape_cast %broadcast_in_dim3A_341 : vector<16xf32> to vector<16xf32>
          tpu.vector_store %arg7[%swap3A], %swap3A_346 {strides = array<i32>} : memref<512xf32, #tpu.memory_space<vmem>>, vector<16xf32>,
        }
        %scan3A_338 = arith.constant 32 : i32
        "tpu.region"() ({
          %run_scoped3A = tpu.sem_alloc : memref<!tpu.dma_semaphore, #tpu.memory_space<semaphore_mem>>
          %dma_start3A_339 = tpu.memref_slice %arg5[%select_n3A, %mul3A_32] : memref<4x1024xf32, #tpu.memory_space<hbm>> -> memref<1x512xf32, #tpu.memory_space<hbm>>
          %dma_start3A_340 = tpu.memref_squeeze %dma_start3A_339 : memref<1x512xf32, #tpu.memory_space<hbm>> -> memref<512xf32, #tpu.memory_space<hbm>>
          %dma_start3A_341 = tpu.memref_slice %arg5[%select_n3A, %mul3A_32] : memref<4x1024xf32, #tpu.memory_space<hbm>> -> memref<1x512xf32, #tpu.memory_space<hbm>>
          %dma_start3A_342 = tpu.memref_squeeze %dma_start3A_341 : memref<1x512xf32, #tpu.memory_space<hbm>> -> memref<512xf32, #tpu.memory_space<hbm>>
          tpu.enqueue_dma source(%arg7 : memref<512xf32, #tpu.memory_space<vmem>>) target(%dma_start3A_342 : memref<512xf32, #tpu.memory_space<hbm>>) target_semaphore(%run_scoped3A : memref<!tpu.dma_semaphore, #tpu.memory_space<semaphore_mem>>)
          %dma_wait3A_343 = tpu.memref_slice %arg5[%select_n3A, %mul3A_32] : memref<4x1024xf32, #tpu.memory_space<hbm>> -> memref<1x512xf32, #tpu.memory_space<hbm>>
          %dma_wait3A_344 = tpu.memref_squeeze %dma_wait3A_343 : memref<1x512xf32, #tpu.memory_space<hbm>> -> memref<512xf32, #tpu.memory_space<hbm>>
          %dma_wait3A_345 = tpu.memref_slice %arg5[%select_n3A, %mul3A_32] : memref<4x1024xf32, #tpu.memory_space<hbm>> -> memref<1x512xf32, #tpu.memory_space<hbm>>
          %dma_wait3A_346 = tpu.memref_squeeze %dma_wait3A_345 : memref<1x512xf32, #tpu.memory_space<hbm>> -> memref<512xf32, #tpu.memory_space<hbm>>
          tpu.wait_dma2 semaphore(%run_scoped3A : memref<!tpu.dma_semaphore, #tpu.memory_space<semaphore_mem>>) src(%arg7 : memref<512xf32, #tpu.memory_space<vmem>>) dst(%dma_wait3A_346 : memref<512xf32, #tpu.memory_space<hbm>>)
          tpu.yield
        }) : () -> ()
      } else {
      }
      %ne3A_318 = arith.constant 0 : i32
      %ne3A_319 = arith.cmpi ne, %squeeze3A_312, %ne3A_318 : i32
      %ge3A_320 = arith.constant 0 : i32
      %ge3A_321 = arith.cmpi sge, %cond3A_303, %ge3A_320 : i32
      %and3A_322 = arith.andi %ne3A_319, %ge3A_321 : i1
      %convert_element_type3A_323 = arith.extui %and3A_322 : i1 to i32
      %cond3A_324 = arith.constant 0 : i32
      %cond3A_325 = arith.cmpi ne, %convert_element_type3A_323, %cond3A_324 : i32
      scf.if %cond3A_325 {
        "tpu.region"() ({
          %run_scoped3A = tpu.sem_alloc : memref<!tpu.dma_semaphore, #tpu.memory_space<semaphore_mem>>
          %dma_start3A_334 = tpu.memref_slice %arg5[%select_n3A, %mul3A_32] : memref<4x1024xf32, #tpu.memory_space<hbm>> -> memref<1x512xf32, #tpu.memory_space<hbm>>
          %dma_start3A_335 = tpu.memref_squeeze %dma_start3A_334 : memref<1x512xf32, #tpu.memory_space<hbm>> -> memref<512xf32, #tpu.memory_space<hbm>>
          %dma_start3A_336 = tpu.memref_slice %arg2[%select_n3A, %cond3A_303, %mul3A_32] : memref<4x8192x1024xf32, #tpu.memory_space<hbm>> -> memref<1x1x512xf32, #tpu.memory_space<hbm>>
          %dma_start3A_337 = tpu.memref_squeeze %dma_start3A_336 : memref<1x1x512xf32, #tpu.memory_space<hbm>> -> memref<512xf32, #tpu.memory_space<hbm>>
          tpu.enqueue_dma source(%dma_start3A_337 : memref<512xf32, #tpu.memory_space<hbm>>) target(%dma_start3A_335 : memref<512xf32, #tpu.memory_space<hbm>>) target_semaphore(%run_scoped3A : memref<!tpu.dma_semaphore, #tpu.memory_space<semaphore_mem>>)
          %dma_wait3A_338 = tpu.memref_slice %arg5[%select_n3A, %mul3A_32] : memref<4x1024xf32, #tpu.memory_space<hbm>> -> memref<1x512xf32, #tpu.memory_space<hbm>>
          %dma_wait3A_339 = tpu.memref_squeeze %dma_wait3A_338 : memref<1x512xf32, #tpu.memory_space<hbm>> -> memref<512xf32, #tpu.memory_space<hbm>>
          %dma_wait3A_340 = tpu.memref_slice %arg2[%select_n3A, %cond3A_303, %mul3A_32] : memref<4x8192x1024xf32, #tpu.memory_space<hbm>> -> memref<1x1x512xf32, #tpu.memory_space<hbm>>
          %dma_wait3A_341 = tpu.memref_squeeze %dma_wait3A_340 : memref<1x1x512xf32, #tpu.memory_space<hbm>> -> memref<512xf32, #tpu.memory_space<hbm>>
          tpu.wait_dma2 semaphore(%run_scoped3A : memref<!tpu.dma_semaphore, #tpu.memory_space<semaphore_mem>>) src(%dma_wait3A_341 : memref<512xf32, #tpu.memory_space<hbm>>) dst(%dma_wait3A_339 : memref<512xf32, #tpu.memory_space<hbm>>)
          tpu.yield
        }) : () -> ()
      } else {
      }
      %ne3A_326 = arith.constant 0 : i32
      %ne3A_327 = arith.cmpi ne, %squeeze3A_312, %ne3A_326 : i32
      %lt3A_328 = arith.constant 0 : i32
      %lt3A_329 = arith.cmpi slt, %cond3A_303, %lt3A_328 : i32
      %and3A_330 = arith.andi %ne3A_327, %lt3A_329 : i1
      %convert_element_type3A_331 = arith.extui %and3A_330 : i1 to i32
      %cond3A_332 = arith.constant 0 : i32
      %cond3A_333 = arith.cmpi ne, %convert_element_type3A_331, %cond3A_332 : i32
      scf.if %cond3A_333 {
        %scan3A = arith.constant 0 : i32
        %scan3A_334 = arith.constant 0 : i32
        %scan3A_335 = arith.constant 32 : i32
        %scan3A_336 = arith.addi %scan3A_334, %scan3A_335 : i32
        %scan3A_337 = arith.constant 1 : i32
        scf.for %scan3A_352 = %scan3A_334 to %scan3A_336 step %scan3A_337  : i32 {
          %broadcast_in_dim3A_353 = arith.constant 0.000000e+00 : f32
          %broadcast_in_dim3A_354 = vector.broadcast %broadcast_in_dim3A_353 : f32 to vector<16xf32>
          %mul3A_355 = arith.constant 16 : i32
          %mul3A_356 = arith.muli %scan3A_352, %mul3A_355 : i32
          %swap3A = arith.index_cast %mul3A_356 : i32 to index
          %swap3A_357 = tpu.vector_load %arg8[%swap3A] {strides = array<i32>} : memref<512xf32, #tpu.memory_space<vmem>>, vector<16xf32>,
          %swap3A_358 = vector.shape_cast %swap3A_357 : vector<16xf32> to vector<16xf32>
          %swap3A_359 = vector.shape_cast %broadcast_in_dim3A_354 : vector<16xf32> to vector<16xf32>
          tpu.vector_store %arg8[%swap3A], %swap3A_359 {strides = array<i32>} : memref<512xf32, #tpu.memory_space<vmem>>, vector<16xf32>,
        }
        %scan3A_338 = arith.constant 32 : i32
        %scan3A_339 = arith.constant 0 : i32
        %scan3A_340 = arith.constant 0 : i32
        %scan3A_341 = arith.constant 8192 : i32
        %scan3A_342 = arith.addi %scan3A_340, %scan3A_341 : i32
        %scan3A_343 = arith.constant 1 : i32
        scf.for %scan3A_352 = %scan3A_340 to %scan3A_342 step %scan3A_343  : i32 {
          "tpu.region"() ({
            %run_scoped3A = tpu.sem_alloc : memref<!tpu.dma_semaphore, #tpu.memory_space<semaphore_mem>>
            %dma_start3A_362 = tpu.memref_slice %arg2[%select_n3A, %scan3A_352, %mul3A_32] : memref<4x8192x1024xf32, #tpu.memory_space<hbm>> -> memref<1x1x512xf32, #tpu.memory_space<hbm>>
            %dma_start3A_363 = tpu.memref_squeeze %dma_start3A_362 : memref<1x1x512xf32, #tpu.memory_space<hbm>> -> memref<512xf32, #tpu.memory_space<hbm>>
            %dma_start3A_364 = tpu.memref_slice %arg2[%select_n3A, %scan3A_352, %mul3A_32] : memref<4x8192x1024xf32, #tpu.memory_space<hbm>> -> memref<1x1x512xf32, #tpu.memory_space<hbm>>
            %dma_start3A_365 = tpu.memref_squeeze %dma_start3A_364 : memref<1x1x512xf32, #tpu.memory_space<hbm>> -> memref<512xf32, #tpu.memory_space<hbm>>
            tpu.enqueue_dma source(%dma_start3A_365 : memref<512xf32, #tpu.memory_space<hbm>>) target(%arg7 : memref<512xf32, #tpu.memory_space<vmem>>) target_semaphore(%run_scoped3A : memref<!tpu.dma_semaphore, #tpu.memory_space<semaphore_mem>>)
            %dma_wait3A_366 = tpu.memref_slice %arg2[%select_n3A, %scan3A_352, %mul3A_32] : memref<4x8192x1024xf32, #tpu.memory_space<hbm>> -> memref<1x1x512xf32, #tpu.memory_space<hbm>>
            %dma_wait3A_367 = tpu.memref_squeeze %dma_wait3A_366 : memref<1x1x512xf32, #tpu.memory_space<hbm>> -> memref<512xf32, #tpu.memory_space<hbm>>
            %dma_wait3A_368 = tpu.memref_slice %arg2[%select_n3A, %scan3A_352, %mul3A_32] : memref<4x8192x1024xf32, #tpu.memory_space<hbm>> -> memref<1x1x512xf32, #tpu.memory_space<hbm>>
            %dma_wait3A_369 = tpu.memref_squeeze %dma_wait3A_368 : memref<1x1x512xf32, #tpu.memory_space<hbm>> -> memref<512xf32, #tpu.memory_space<hbm>>
            tpu.wait_dma2 semaphore(%run_scoped3A : memref<!tpu.dma_semaphore, #tpu.memory_space<semaphore_mem>>) src(%dma_wait3A_369 : memref<512xf32, #tpu.memory_space<hbm>>) dst(%arg7 : memref<512xf32, #tpu.memory_space<vmem>>)
            tpu.yield
          }) : () -> ()
          %add3A_353 = arith.constant 1 : i32
          %add3A_354 = arith.addi %scan3A_352, %add3A_353 : i32
          %convert_element_type3A_355 = arith.sitofp %add3A_354 : i32 to f32
          %scan3A_356 = arith.constant 0 : i32
          %scan3A_357 = arith.constant 0 : i32
          %scan3A_358 = arith.constant 32 : i32
          %scan3A_359 = arith.addi %scan3A_357, %scan3A_358 : i32
          %scan3A_360 = arith.constant 1 : i32
          scf.for %scan3A_362 = %scan3A_357 to %scan3A_359 step %scan3A_360  : i32 {
            %mul3A_363 = arith.constant 16 : i32
            %mul3A_364 = arith.muli %scan3A_362, %mul3A_363 : i32
            %get3A_365 = arith.index_cast %mul3A_364 : i32 to index
            %get3A_366 = tpu.vector_load %arg8[%get3A_365] {strides = array<i32>} : memref<512xf32, #tpu.memory_space<vmem>>, vector<16xf32>,
            %get3A_367 = vector.shape_cast %get3A_366 : vector<16xf32> to vector<16xf32>
            %get3A_368 = arith.index_cast %mul3A_364 : i32 to index
            %get3A_369 = tpu.vector_load %arg7[%get3A_368] {strides = array<i32>} : memref<512xf32, #tpu.memory_space<vmem>>, vector<16xf32>,
            %get3A_370 = vector.shape_cast %get3A_369 : vector<16xf32> to vector<16xf32>
            %mul3A_371 = vector.broadcast %convert_element_type3A_355 : f32 to vector<16xf32>
            %mul3A_372 = arith.mulf %get3A_370, %mul3A_371 : vector<16xf32>
            %add3A_373 = arith.addf %get3A_367, %mul3A_372 : vector<16xf32>
            %swap3A = arith.index_cast %mul3A_364 : i32 to index
            %swap3A_374 = tpu.vector_load %arg8[%swap3A] {strides = array<i32>} : memref<512xf32, #tpu.memory_space<vmem>>, vector<16xf32>,
            %swap3A_375 = vector.shape_cast %swap3A_374 : vector<16xf32> to vector<16xf32>
            %swap3A_376 = vector.shape_cast %add3A_373 : vector<16xf32> to vector<16xf32>
            tpu.vector_store %arg8[%swap3A], %swap3A_376 {strides = array<i32>} : memref<512xf32, #tpu.memory_space<vmem>>, vector<16xf32>,
          }
          %scan3A_361 = arith.constant 32 : i32
        }
        %scan3A_344 = arith.constant 8192 : i32
        %scan3A_345 = arith.constant 0 : i32
        %scan3A_346 = arith.constant 1.22070313E-4 : f32
        %scan3A_347 = arith.constant 0 : i32
        %scan3A_348 = arith.constant 32 : i32
        %scan3A_349 = arith.addi %scan3A_347, %scan3A_348 : i32
        %scan3A_350 = arith.constant 1 : i32
        scf.for %scan3A_352 = %scan3A_347 to %scan3A_349 step %scan3A_350  : i32 {
          %mul3A_353 = arith.constant 16 : i32
          %mul3A_354 = arith.muli %scan3A_352, %mul3A_353 : i32
          %get3A_355 = arith.index_cast %mul3A_354 : i32 to index
          %get3A_356 = tpu.vector_load %arg8[%get3A_355] {strides = array<i32>} : memref<512xf32, #tpu.memory_space<vmem>>, vector<16xf32>,
          %get3A_357 = vector.shape_cast %get3A_356 : vector<16xf32> to vector<16xf32>
          %mul3A_358 = vector.broadcast %scan3A_346 : f32 to vector<16xf32>
          %mul3A_359 = arith.mulf %get3A_357, %mul3A_358 : vector<16xf32>
          %swap3A = arith.index_cast %mul3A_354 : i32 to index
          %swap3A_360 = tpu.vector_load %arg8[%swap3A] {strides = array<i32>} : memref<512xf32, #tpu.memory_space<vmem>>, vector<16xf32>,
          %swap3A_361 = vector.shape_cast %swap3A_360 : vector<16xf32> to vector<16xf32>
          %swap3A_362 = vector.shape_cast %mul3A_359 : vector<16xf32> to vector<16xf32>
          tpu.vector_store %arg8[%swap3A], %swap3A_362 {strides = array<i32>} : memref<512xf32, #tpu.memory_space<vmem>>, vector<16xf32>,
        }
        %scan3A_351 = arith.constant 32 : i32
        "tpu.region"() ({
          %run_scoped3A = tpu.sem_alloc : memref<!tpu.dma_semaphore, #tpu.memory_space<semaphore_mem>>
          %dma_start3A_352 = tpu.memref_slice %arg5[%select_n3A, %mul3A_32] : memref<4x1024xf32, #tpu.memory_space<hbm>> -> memref<1x512xf32, #tpu.memory_space<hbm>>
          %dma_start3A_353 = tpu.memref_squeeze %dma_start3A_352 : memref<1x512xf32, #tpu.memory_space<hbm>> -> memref<512xf32, #tpu.memory_space<hbm>>
          %dma_start3A_354 = tpu.memref_slice %arg5[%select_n3A, %mul3A_32] : memref<4x1024xf32, #tpu.memory_space<hbm>> -> memref<1x512xf32, #tpu.memory_space<hbm>>
          %dma_start3A_355 = tpu.memref_squeeze %dma_start3A_354 : memref<1x512xf32, #tpu.memory_space<hbm>> -> memref<512xf32, #tpu.memory_space<hbm>>
          tpu.enqueue_dma source(%arg8 : memref<512xf32, #tpu.memory_space<vmem>>) target(%dma_start3A_355 : memref<512xf32, #tpu.memory_space<hbm>>) target_semaphore(%run_scoped3A : memref<!tpu.dma_semaphore, #tpu.memory_space<semaphore_mem>>)
          %dma_wait3A_356 = tpu.memref_slice %arg5[%select_n3A, %mul3A_32] : memref<4x1024xf32, #tpu.memory_space<hbm>> -> memref<1x512xf32, #tpu.memory_space<hbm>>
          %dma_wait3A_357 = tpu.memref_squeeze %dma_wait3A_356 : memref<1x512xf32, #tpu.memory_space<hbm>> -> memref<512xf32, #tpu.memory_space<hbm>>
          %dma_wait3A_358 = tpu.memref_slice %arg5[%select_n3A, %mul3A_32] : memref<4x1024xf32, #tpu.memory_space<hbm>> -> memref<1x512xf32, #tpu.memory_space<hbm>>
          %dma_wait3A_359 = tpu.memref_squeeze %dma_wait3A_358 : memref<1x512xf32, #tpu.memory_space<hbm>> -> memref<512xf32, #tpu.memory_space<hbm>>
          tpu.wait_dma2 semaphore(%run_scoped3A : memref<!tpu.dma_semaphore, #tpu.memory_space<semaphore_mem>>) src(%arg8 : memref<512xf32, #tpu.memory_space<vmem>>) dst(%dma_wait3A_359 : memref<512xf32, #tpu.memory_space<hbm>>)
          tpu.yield
        }) : () -> ()
      } else {
      }
    } else {
    }
    return
  }
}

</mosaic_0001>

<sc_bundles>
// kernel: kernel.3.cloned.1.call-start
scs
__scs_entry_jumppad:
0x0: {  	(pc) =	sbr.rel $0x88, $3  }
0x1: {  	(tag) =	ssettag $0x0;
	lr =	simm.s32 $0x1  }
0x2: {  	[smem:$0x3F9E] =	sst lr;
	_ =	strace $0xD0000000  }
0x3: {  	_ = 	snop  }
0x4: {  	_ = 	snop  }
0x5: {  	_ = 	snop  }
0x6: {  	_ = 	snop  }
0x7: {  	_ = 	snop  }
__scs_overlays_trampoline_lowered:
0x8: {  	[smem:$0x3FAD] =	sst s0  }
0x9: {  	[smem:$0x3FAE] =	sst s1  }
0xa: {  	[smem:$0x3FAF] =	sst s2  }
0xb: {  	[smem:$0x3FB0] =	sst s3  }
0xc: {  	[smem:$0x3FB1] =	sst s4  }
0xd: {  	[smem:$0x3FB2] =	sst s5  }
0xe: {  	[smem:$0x3FB3] =	sst s6  }
0xf: {  	[smem:$0x3FB4] =	sst s7  }
0x10: {  	[smem:$0x3FB5] =	sst s8  }
0x11: {  	[smem:$0x3FB6] =	sst s9;
	s0 =	simm.s32 @!p0 $0x0  }
0x12: {  	s1 =	sld [smem:$0x3F9C];
	s0 =	simm.s32 @p0 $0x1  }
0x13: {  	[smem:$0x3FB7] =	sst s0;
	s0 =	simm.s32 @!p1 $0x0  }
0x14: {  	s2 =	sld [smem:$0x3F9B];
	s0 =	simm.s32 @p1 $0x1  }
0x15: {  	[smem:$0x3FB8] =	sst s0;
	s0 =	simm.s32 @!p2 $0x0  }
0x16: {  	s3 =	sld [smem:$0x3FDB];
	s0 =	simm.s32 @p2 $0x1  }
0x17: {  	s4 =	simm.s32 $0x1BF5;
	[smem:$0x3FBA] =	sst s0  }
0x18: {  	s0 =	sld [smem:$0x3F9D];
	_ =	swait.ge [sflag:s4], $0x0  }
0x19: {  	s7 =	sld [smem:$0x3F9E]  }
0x1a: {  	s8 =	sadd.s32 $0xFFFFE003, lr  }
0x1b: {  	s9 =	sadd.s32 $0xFFFFFEF7, lr;
	s5 =	simm.s32 $0xFFFFFFFF;
	p2 =	slt.u32 s8, $0xFFFFF086  }
0x1c: {  	p1 =	slt.u32 s9, $0xF7A;
	s5 =	simm.s32 @!p2 $0x0  }
0x1d: {  	s5 =	simm.s32 @p1 $0x1;
	p0 =	seq.s32 s7, s2  }
0x1e: {  	s7 =	smul.u32 @!p0 $0xF7A, s2;
	p2 =	seq.s32 @!p0 s5, $0x0  }
0x1f: {  	s9 =	smul.u32 $0xF7A, s1;
	s8 =	simm.s32 @!p0 $0x1BF5;
	p2 =	por !p2, p0  }
0x20: {  	[sflag:s8] =	ssyncset.s32 @!p0 $0xFFFFF086;
	s6 =	sadd.s32 @!p0 s3, s7;
	s7 =	simm.s32 @!p0 $0x108  }
0x21: {  	s3 =	sadd.s32 s3, s9;
	s6 =	sadd.s32 @!p0 $0x88, s6;
	s7 =	simm.s32 @p2 $0x1082  }
0x22: {  	[simem:s7], [sflag:s8] =	dma.local @!p0 [hbm:s6], $0xF7A  }
0x23: {  	s9 =	sor.u32 $0xD0000000, s2;
	s6 =	simm.s32 $0x108;
	_ =	swait.ge @!p0 [sflag:s8], $0x0  }
0x24: {  	s3 =	sadd.s32 $0x88, s3;
	s6 =	simm.s32 @!p1 $0x1082;
	[sflag:s4] =	ssyncset.s32 $0xFFFFF086  }
0x25: {  	[simem:s6], [sflag:s4] =	dma.local [hbm:s3], $0xF7A  }
0x26: {  	[smem:$0x3F9E] =	sst s1;
	(tag) =	ssettag s2;
	_ =	strace s9  }
0x27: {  	s1 =	sld [smem:$0x3FAE]  }
0x28: {  	s2 =	sld [smem:$0x3FAF]  }
0x29: {  	s4 =	sld [smem:$0x3FB1]  }
0x2a: {  	p0 =	seq.s32 s5, $0x0;
	s5 =	sld [smem:$0x3FB2]  }
0x2b: {  	s6 =	sld [smem:$0x3FB3]  }
0x2c: {  	s7 =	sld [smem:$0x3FB4]  }
0x2d: {  	s3 =	simm.s32 $0x108;
	s8 =	sld [smem:$0x3FB5]  }
0x2e: {  	s3 =	simm.s32 @!p0 $0x1082;
	s9 =	sld [smem:$0x3FB6]  }
0x2f: {  	lr =	sadd.s32 s0, s3;
	s0 =	sld [smem:$0x3FAD]  }
0x30: {  	s3 =	sld [smem:$0x3FB0]  }
0x31: {  	[smem:$0x3FB9] =	sst s10  }
0x32: {  	s10 =	sld [smem:$0x3FB7];
	_ =	sdelay $0x3  }
0x33: {  	p0 =	seq.s32 s10, $0x1;
	s10 =	sld [smem:$0x3FB9];
	_ =	sdelay $0x3  }
0x34: {  	[smem:$0x3FB9] =	sst s10  }
0x35: {  	s10 =	sld [smem:$0x3FB8];
	_ =	sdelay $0x3  }
0x36: {  	p1 =	seq.s32 s10, $0x1;
	s10 =	sld [smem:$0x3FB9];
	_ =	sdelay $0x3  }
0x37: {  	[smem:$0x3FB9] =	sst s10  }
0x38: {  	s10 =	sld [smem:$0x3FBA]  }
0x39: {  	_ = 	snop;
	(pc) =	sbr.ind lr, $3  }
0x3a: {  	_ = 	snop  }
0x3b: {  	_ = 	snop  }
0x3c: {  	p2 =	seq.s32 s10, $0x1;
	s10 =	sld [smem:$0x3FB9]  }
0x3d: {  	_ =	shalt  }
0x3e: {  	_ =	shalt  }
0x3f: {  	_ =	shalt  }
0x40: {  	_ =	shalt  }
0x41: {  	_ =	shalt  }
0x42: {  	_ =	shalt  }
0x43: {  	_ =	shalt  }
0x44: {  	_ =	shalt  }
0x45: {  	_ =	shalt  }
0x46: {  	_ =	shalt  }
0x47: {  	_ =	shalt  }
0x48: {  	_ =	shalt  }
0x49: {  	_ =	shalt  }
0x4a: {  	_ =	shalt  }
0x4b: {  	_ =	shalt  }
0x4c: {  	_ =	shalt  }
0x4d: {  	_ =	shalt  }
0x4e: {  	_ =	shalt  }
0x4f: {  	_ =	shalt  }
0x50: {  	_ =	shalt  }
0x51: {  	_ =	shalt  }
0x52: {  	_ =	shalt  }
0x53: {  	_ =	shalt  }
0x54: {  	_ =	shalt  }
0x55: {  	_ =	shalt  }
0x56: {  	_ =	shalt  }
0x57: {  	_ =	shalt  }
0x58: {  	_ =	shalt  }
0x59: {  	_ =	shalt  }
0x5a: {  	_ =	shalt  }
0x5b: {  	_ =	shalt  }
0x5c: {  	_ =	shalt  }
0x5d: {  	_ =	shalt  }
0x5e: {  	_ =	shalt  }
0x5f: {  	_ =	shalt  }
0x60: {  	_ =	shalt  }
0x61: {  	_ =	shalt  }
0x62: {  	_ =	shalt  }
0x63: {  	_ =	shalt  }
0x64: {  	_ =	shalt  }
0x65: {  	_ =	shalt  }
0x66: {  	_ =	shalt  }
0x67: {  	_ =	shalt  }
0x68: {  	_ =	shalt  }
0x69: {  	_ =	shalt  }
0x6a: {  	_ =	shalt  }
0x6b: {  	_ =	shalt  }
0x6c: {  	_ =	shalt  }
0x6d: {  	_ =	shalt  }
0x6e: {  	_ =	shalt  }
0x6f: {  	_ =	shalt  }
0x70: {  	_ =	shalt  }
0x71: {  	_ =	shalt  }
0x72: {  	_ =	shalt  }
0x73: {  	_ =	shalt  }
0x74: {  	_ =	shalt  }
0x75: {  	_ =	shalt  }
0x76: {  	_ =	shalt  }
0x77: {  	_ =	shalt  }
0x78: {  	_ =	shalt  }
0x79: {  	_ =	shalt  }
0x7a: {  	_ =	shalt  }
0x7b: {  	_ =	shalt  }
0x7c: {  	_ =	shalt  }
0x7d: {  	_ =	shalt  }
0x7e: {  	_ =	shalt  }
0x7f: {  	_ =	shalt  }
0x80: {  	_ =	shalt  }
0x81: {  	_ =	shalt  }
0x82: {  	_ =	shalt  }
0x83: {  	_ =	shalt  }
0x84: {  	_ =	shalt  }
0x85: {  	_ =	shalt  }
0x86: {  	_ =	shalt  }
0x87: {  	_ =	shalt  }
.Lfunc_end0:
.L_simem_size_0:
called_computation_lowered:
.L_overlay_start_0:
0x88: {  	s0 =	sld [smem:$0x3FD9]  }
0x89: {  	s1 =	sld [smem:$0x3FFE];
	_ =	sdelay $0x3  }
0x8a: {  	s0 =	sadd.s32 s1, s0  }
0x8b: {  	[smem:$0x3FC5] =	sst s0  }
0x8c: {  	_ = 	snop  }
0x8d: {  	s0 =	sld [smem:$0x3FC9]  }
0x8e: {  	s17 =	sld [smem:$0x3FC8]  }
0x8f: {  	s2 =	sld [smem:$0x3FC7]  }
0x90: {  	s3 =	sld [smem:$0x3FD0];
	(tm) =	ssettm $0x1  }
0x91: {  	s4 =	sld [smem:$0x3FFB];
	_ =	sdelay $0x3  }
0x92: {  	_ =	strace s4  }
0x93: {  	s4 =	sld [smem:$0x3FFC];
	_ =	sdelay $0x3  }
0x94: {  	_ =	strace s4  }
0x95: {  	s4 =	sld [smem:$0x3FFD];
	_ =	sdelay $0x3  }
0x96: {  	_ =	strace s4  }
0x97: {  	_ =	strace $0x8FFFFFFF  }
0x98: {  	s18 =	sld [smem:$0x3FDB];
	_ =	sdelay $0x1  }
0x99: {  	s5 =	simm.s32 $_scs_section_size  }
0x9a: {  	s6 =	simm.s32 $_size__tile_overlayer_lowered;
	s7 =	simm.s32 $_tile_overlayer_lowered  }
0x9b: {  	s21 =	simm.s32 $0x1BFF;
	s20 =	sshll.u32 s7, $0x1;
	s4 =	sadd.s32 s5, s18  }
0x9c: {  	s8 =	simm.s32 $0x0;
	s19 =	sshll.u32 s6, $0x1;
	s6 =	sadd.s32 s20, s4  }
0x9d: {  	[timem:s8], [sflag:s21] =	dma.local [hbm:s6], s19  }
0x9e: {  	_ =	swait.ge [sflag:s21], s19  }
0x9f: {  	s5 =	ssub.s32 $0x0, s19;
	[sflag:s21] =	ssyncset.done $0x0  }
0xa0: {  	[sflag:s21] =	ssyncadd.s32 s5;
	_ =	sdelay $0x1  }
0xa1: {  	s22 =	simm.s32 $0x1B8B  }
0xa2: {  	_ =	swait.ge [sflag:s22], $0x1  }
0xa3: {  	[sflag:s22] =	ssyncset.done $0x0  }
0xa4: {  	s23 =	simm.s32 $0x1B8E;
	[sflag:s22] =	ssyncadd.s32 $0xFFFFFFFF  }
0xa5: {  	s24 =	simm.s32 $execute0_lowered;
	[smem:$0x3FD2] =	sst s23  }
0xa6: {  	s5 =	sshll.u32 s24, $0x1;
	_ =	strace $0x80000046;
	[dreg:$0x1] =	wrdreg $0xFFFFFFFF  }
0xa7: {  	s25 =	simm.s32 $_size_execute0_lowered;
	s4 =	sadd.s32 s4, s5;
	[dreg:$0x0] =	wrdreg $0x0  }
0xa8: {  	s5 =	sshll.u32 s25, $0x1;
	[dreg:$0x2] =	wrdreg s4  }
0xa9: {  	[dreg:$0x3] =	wrdreg s5  }
0xaa: {  	[dreg:$0x4] =	wrdreg $0xC0  }
0xab: {  	_ =	task [dreg:s8], $0x5FFFF  }
0xac: {  	[dreg:$0x1] =	wrdreg $0xFFFFFFFF  }
0xad: {  	[dreg:$0x0] =	wrdreg $0x60  }
0xae: {  	[dreg:$0x2] =	wrdreg s0  }
0xaf: {  	[dreg:$0x3] =	wrdreg s17  }
0xb0: {  	[dreg:$0x4] =	wrdreg s2  }
0xb1: {  	[dreg:$0x5] =	wrdreg s3  }
0xb2: {  	[dreg:$0x6] =	wrdreg $0x9  }
0xb3: {  	_ =	task.clear_ibuf [dreg:s8], $0x7FFFF;
	_ =	strace $0x90000046  }
0xb4: {  	s26 =	simm.s32 $0x9;
	_ =	strace $0x80000048  }
0xb5: {  	_ =	swait.ge [sflag:s26], $0x1  }
0xb6: {  	[sflag:s26] =	ssyncadd.s32 $0xFFFFFFFF  }
0xb7: {  	_ =	strace $0x90000048  }
0xb8: {  	_ =	sfence  }
0xb9: {  	s28 =	sld [smem:$0x0];
	_ =	sdelay $0x1  }
0xba: {  	s29 =	srdreg.scid  }
0xbb: {  	s30 =	sshll.u32 s29, $0xD;
	s31 =	sshrl.u32 s29, $0x2  }
0xbc: {  	s1 =	sand.u32 $0x1, s29;
	s2 =	sand.u32 $0x4000, s30;
	s0 =	sadd.s32 s31, s28  }
0xbd: {  	s1 =	sor.u32 s2, s1;
	s0 =	sshll.u32 s0, $0x11  }
0xbe: {  	s0 =	sor.u32 s0, s1  }
0xbf: {  	s0 =	sadd.s32 $0x8F2B, s0  }
0xc0: {  	[sflag:s0] =	ssyncadd.remote.s32 $0x1  }
0xc1: {  	_ =	sfence.sel $0xFFFF  }
0xc2: {  	[dreg:$0x0] =	wrdreg $0xFFFFFFFF;
	(pc) =	sbr.abs _section_cstart, $3  }
0xc3: {  	[dreg:$0x1] =	wrdreg $0xFFFFFFFF  }
0xc4: {  	_ =	task.clear_ibuf [dreg:s8], $0x2FFFF;
	_ =	strace $0x9FFFFFFF  }
0xc5: {  	(tm) =	ssettm $0x7FFFFFFF  }
tec
execute0_lowered:
.L_overlay_start_1:
0x0: {  	(tag) =	ssettag $0x1  }
0x1: {  	s1 =	stileid.u32  }
0x2: {  	s2 =	rddreg [dreg:$0x0];
	p0 =	sgt.u32 s1, $0x7  }
.Ltmp0:
0x3: {  	s6 =	rddreg [dreg:$0x1];
	(pc) =	sbr.rel @p0 .LBB2_18-.Ltmp0, $4  }
0x4: {  	s5 =	rddreg [dreg:$0x2]  }
0x5: {  	s4 =	rddreg [dreg:$0x3];
	s8 =	simm.s32 $0x0  }
0x6: {  	[smem:$0x7FF] =	sst s8  }
0x7: {  	s0 =	rddreg [dreg:$0x4];
	_ =	strace $0x80000047  }
0x8: {  	s3 =	sshrl.u32 s1, $0x1  }
0x9: {  	s25 =	simm.s32 $0x2500;
	s7 =	sshll.u32 s3, $0x4  }
0xa: {  	[tilespmem:s25], [sflag:$0x1] =	stream.linear.gather [hbm4b:s5+s8], $0x1, $0x38;
	[tilespmem:$0x2580] =	vst v63  }
0xb: {  	s26 =	simm.s32 $0x2400;
	s28 =	simm.s32 $0x2;
	s9 =	sadd.s32 s7, s6  }
0xc: {  	s8 =	simm.s32 $0x80;
	s10 =	sadd.s32 $0xF80, s9;
	s9 =	simm.s32 $0x200  }
0xd: {  	[tilespmem:s26], [sflag:$0x2] =	stream.strided.gather [hbm4b:s10+s8], $0x100, s9, s8, $0x38;
	[tilespmem:$0x2580] =	vst v63  }
0xe: {  	_ =	swait.ge [sflag:s28], $0x100  }
0xf: {  	[sflag:s28] =	ssyncset.done $0x0  }
0x10: {  	[sflag:s28] =	ssyncadd.s32 $0xFFFFFF00  }
0x11: {  	v1 =	vld [tilespmem:$0x2410];
	_ =	sdelay $0x1  }
0x12: {  	v2 =	vld [tilespmem:$0x2400]  }
0x13: {  	v3 =	vld [tilespmem:$0x2420]  }
0x14: {  	v0 =	vlaneseq.u32  }
0x15: {  	v4 =	vld [tilespmem:$0x2430];
	vm0 =	veq.s32 v1, $0x2;
	v1 =	vor.u32 $0x1F10, v0  }
0x16: {  	v5 =	vor.u32 $0x1F00, v0;
	v1 =	vnsel vm0, $0xFFFFFFFF, v1  }
0x17: {  	vm13 =	veq.s32 v2, $0x2;
	v2 =	vld [tilespmem:$0x2440];
	vm1 =	vgt.s32 v1, v5  }
0x18: {  	vm14 =	veq.s32 v3, $0x2;
	v3 =	vor.u32 $0x1F20, v0;
	v5 =	vsel vm1, v1, v5  }
0x19: {  	v49 =	vld [tilespmem:$0x2450];
	v3 =	vnsel vm14, $0xFFFFFFFF, v3;
	v1 =	vsel vm13, v5, v1  }
0x1a: {  	v50 =	vor.u32 $0x1F30, v0;
	vm15 =	veq.s32 v4, $0x2;
	vm0 =	vgt.s32 v1, v3  }
0x1b: {  	v51 =	vld [tilespmem:$0x2460];
	v1 =	vsel vm0, v1, v3;
	v3 =	vnsel vm15, $0xFFFFFFFF, v50  }
0x1c: {  	vm4 =	veq.s32 v2, $0x2;
	v2 =	vor.u32 $0x1F40, v0;
	vm0 =	vgt.s32 v1, v3  }
0x1d: {  	v2 =	vnsel vm4, $0xFFFFFFFF, v2;
	v1 =	vsel vm0, v1, v3;
	v3 =	vld [tilespmem:$0x2470]  }
0x1e: {  	v52 =	vor.u32 $0x1F50, v0;
	vm5 =	veq.s32 v49, $0x2;
	vm0 =	vgt.s32 v1, v2  }
0x1f: {  	v53 =	vld [tilespmem:$0x2480];
	v1 =	vsel vm0, v1, v2;
	v2 =	vnsel vm5, $0xFFFFFFFF, v52  }
0x20: {  	v54 =	vor.u32 $0x1F60, v0;
	vm6 =	veq.s32 v51, $0x2;
	vm0 =	vgt.s32 v1, v2  }
0x21: {  	v55 =	vld [tilespmem:$0x2490];
	v1 =	vsel vm0, v1, v2;
	v2 =	vnsel vm6, $0xFFFFFFFF, v54  }
0x22: {  	vm0 =	vgt.s32 v1, v2;
	vm7 =	veq.s32 v3, $0x2;
	v3 =	vor.u32 $0x1F70, v0  }
0x23: {  	v1 =	vsel vm0, v1, v2;
	v2 =	vnsel vm7, $0xFFFFFFFF, v3;
	v3 =	vld [tilespmem:$0x24A0]  }
0x24: {  	v56 =	vor.u32 $0x1F80, v0;
	vm8 =	veq.s32 v53, $0x2;
	vm0 =	vgt.s32 v1, v2  }
0x25: {  	v57 =	vld [tilespmem:$0x24B0];
	v1 =	vsel vm0, v1, v2;
	v2 =	vnsel vm8, $0xFFFFFFFF, v56  }
0x26: {  	v58 =	vor.u32 $0x1F90, v0;
	vm9 =	veq.s32 v55, $0x2;
	vm0 =	vgt.s32 v1, v2  }
0x27: {  	v59 =	vld [tilespmem:$0x24C0];
	v1 =	vsel vm0, v1, v2;
	v2 =	vnsel vm9, $0xFFFFFFFF, v58  }
0x28: {  	vm0 =	vgt.s32 v1, v2;
	vm10 =	veq.s32 v3, $0x2;
	v3 =	vor.u32 $0x1FA0, v0  }
0x29: {  	v1 =	vsel vm0, v1, v2;
	v2 =	vnsel vm10, $0xFFFFFFFF, v3;
	v3 =	vld [tilespmem:$0x24D0]  }
0x2a: {  	v60 =	vor.u32 $0x1FB0, v0;
	vm11 =	veq.s32 v57, $0x2;
	vm0 =	vgt.s32 v1, v2  }
0x2b: {  	v61 =	vld [tilespmem:$0x24E0];
	v1 =	vsel vm0, v1, v2;
	v2 =	vnsel vm11, $0xFFFFFFFF, v60  }
0x2c: {  	v62 =	vor.u32 $0x1FC0, v0;
	vm12 =	veq.s32 v59, $0x2;
	vm0 =	vgt.s32 v1, v2  }
0x2d: {  	v63 =	vld [tilespmem:$0x24F0];
	v1 =	vsel vm0, v1, v2;
	v2 =	vnsel vm12, $0xFFFFFFFF, v62  }
0x2e: {  	vm0 =	vgt.s32 v1, v2;
	vm13 =	veq.s32 v3, $0x2;
	v3 =	vor.u32 $0x1FD0, v0  }
0x2f: {  	v1 =	vsel vm0, v1, v2;
	v2 =	vnsel vm13, $0xFFFFFFFF, v3  }
0x30: {  	vm14 =	veq.s32 v61, $0x2;
	v3 =	vor.u32 $0x1FE0, v0;
	vm0 =	vgt.s32 v1, v2  }
0x31: {  	v1 =	vsel vm0, v1, v2;
	v2 =	vnsel vm14, $0xFFFFFFFF, v3  }
0x32: {  	vm15 =	veq.s32 v63, $0x2;
	v3 =	vor.u32 $0x1FF0, v0;
	vm0 =	vgt.s32 v1, v2  }
0x33: {  	v1 =	vsel vm0, v1, v2;
	v2 =	vnsel vm15, $0xFFFFFFFF, v3  }
0x34: {  	vm0 =	vgt.s32 v1, v2  }
0x35: {  	v1 =	vsel vm0, v1, v2  }
0x36: {  	(v2sf) =	vpush v1, $0x0  }
0x37: {  	(v2sf) =	vpush v1, $0x1;
	_ =	sdelay $0x1  }
0x38: {  	(v2sf) =	vpush v1, $0x2;
	_ =	sdelay $0x1  }
0x39: {  	(v2sf) =	vpush v1, $0x3;
	_ =	sdelay $0x1  }
0x3a: {  	(v2sf) =	vpush v1, $0x4;
	_ =	sdelay $0x1  }
0x3b: {  	(v2sf) =	vpush v1, $0x5;
	_ =	sdelay $0x1  }
0x3c: {  	(v2sf) =	vpush v1, $0x6;
	_ =	sdelay $0x1  }
0x3d: {  	(v2sf) =	vpush v1, $0x7;
	_ =	sdelay $0x1  }
0x3e: {  	s5 =	spop (v2sf);
	(v2sf) =	vpush v1, $0x8  }
0x3f: {  	s10 =	spop (v2sf)  }
0x40: {  	(v2sf) =	vpush v1, $0x9;
	p0 =	sgt.s32 s5, s10  }
0x41: {  	s10 =	smov.u32 @p0 s5;
	s5 =	spop (v2sf)  }
0x42: {  	(v2sf) =	vpush v1, $0xA;
	p0 =	sgt.s32 s10, s5  }
0x43: {  	s5 =	smov.u32 @p0 s10;
	s10 =	spop (v2sf)  }
0x44: {  	(v2sf) =	vpush v1, $0xB;
	p0 =	sgt.s32 s5, s10  }
0x45: {  	s10 =	smov.u32 @p0 s5;
	s5 =	spop (v2sf)  }
0x46: {  	(v2sf) =	vpush v1, $0xC;
	p0 =	sgt.s32 s10, s5  }
0x47: {  	s5 =	smov.u32 @p0 s10;
	s10 =	spop (v2sf)  }
0x48: {  	(v2sf) =	vpush v1, $0xD;
	p0 =	sgt.s32 s5, s10  }
0x49: {  	s10 =	smov.u32 @p0 s5;
	s5 =	spop (v2sf)  }
0x4a: {  	(v2sf) =	vpush v1, $0xE;
	p0 =	sgt.s32 s10, s5  }
0x4b: {  	s5 =	smov.u32 @p0 s10;
	s10 =	spop (v2sf)  }
0x4c: {  	(v2sf) =	vpush v1, $0xF;
	p0 =	sgt.s32 s5, s10  }
0x4d: {  	s11 =	spop (v2sf);
	s10 =	smov.u32 @p0 s5  }
0x4e: {  	p0 =	sgt.s32 s10, s11  }
0x4f: {  	s5 =	spop (v2sf);
	s11 =	smov.u32 @p0 s10  }
0x50: {  	p0 =	sgt.s32 s11, s5  }
0x51: {  	s10 =	spop (v2sf);
	s5 =	smov.u32 @p0 s11  }
0x52: {  	p0 =	sgt.s32 s5, s10  }
0x53: {  	s11 =	spop (v2sf);
	s10 =	smov.u32 @p0 s5  }
0x54: {  	p0 =	sgt.s32 s10, s11  }
0x55: {  	s5 =	spop (v2sf);
	s11 =	smov.u32 @p0 s10  }
0x56: {  	p0 =	sgt.s32 s11, s5  }
0x57: {  	s10 =	spop (v2sf);
	s5 =	smov.u32 @p0 s11  }
0x58: {  	p0 =	sgt.s32 s5, s10  }
0x59: {  	s12 =	spop (v2sf);
	s10 =	smov.u32 @p0 s5  }
0x5a: {  	p0 =	sgt.s32 s10, s12  }
0x5b: {  	s11 =	spop (v2sf);
	s12 =	smov.u32 @p0 s10  }
0x5c: {  	p0 =	sgt.s32 s12, s11  }
0x5d: {  	s11 =	smov.u32 @p0 s12  }
0x5e: {  	p0 =	sgt.s32 s11, $0xFFFFFFFF  }
.Ltmp1:
0x5f: {  	s29 =	sshll.u32 s1, $0x9;
	(pc) =	sbr.rel @p0 .LBB2_5-.Ltmp1, $4  }
0x60: {  	s5 =	sand.u32 $0x200, s29  }
0x61: {  	s30 =	sshll.u32 s3, $0x7;
	s31 =	sshll.u32 s5, $0x2  }
0x62: {  	s10 =	sor.u32 s30, s31  }
0x63: {  	s10 =	sshrl.u32 s10, $0x3  }
0x64: {  	s6 =	sadd.s32 s6, s7;
	s30 =	simm.s32 $0x0;
	s31 =	simm.s32 $0x3  }
0x65: {  	[tilespmem:s30], [sflag:$0x3] =	stream.strided.gather [hbm4b:s6+s8], $0x2000, s9, s8, $0x38;
	[tilespmem:$0x2580] =	vst v63  }
0x66: {  	_ =	swait.ge [sflag:s31], $0x2000  }
0x67: {  	[sflag:s31] =	ssyncset.done $0x0  }
0x68: {  	[sflag:s31] =	ssyncadd.s32 $0xFFFFE000  }
0x69: {  	v3 =	vld [tilespmem:s30+$0x0];
	_ =	sdelay $0x4  }
0x6a: {  	v1 =	vimm.s32 $0xFFFFFFFF;
	s7 =	simm.s32 $0x10;
	s6 =	simm.s32 $0x10;
	v2 =	vor.u32 s30, v0;
	vm0 =	veq.s32 v3, $0x2  }
.LBB2_3:
0x6b: {  	v3 =	vld [tilespmem:s7+$0x0];
	p0 =	sne.s32 s6, $0x1EF0;
	v2 =	vnsel vm0, $0xFFFFFFFF, v2;
	s8 =	smov.u32 s6;
	s6 =	sadd.s32 $0x10, s6  }
.Ltmp2:
0x6c: {  	vm0 =	vgt.s32 v1, v2;
	(pc) =	sbr.rel @p0 .LBB2_3-.Ltmp2, $2  }
0x6d: {  	v1 =	vsel vm0, v1, v2;
	_ =	sdelay $0x2  }
0x6e: {  	s7 =	sadd.s32 $0x10, s7;
	v2 =	vor.u32 s8, v0;
	vm0 =	veq.s32 v3, $0x2  }
0x6f: {  	v0 =	vnsel vm0, $0xFFFFFFFF, v2  }
0x70: {  	vm0 =	vgt.s32 v1, v0  }
0x71: {  	v0 =	vsel vm0, v1, v0  }
0x72: {  	(v2sf) =	vpush v0, $0x0  }
0x73: {  	(v2sf) =	vpush v0, $0x1;
	_ =	sdelay $0x1  }
0x74: {  	(v2sf) =	vpush v0, $0x2;
	_ =	sdelay $0x1  }
0x75: {  	(v2sf) =	vpush v0, $0x3;
	_ =	sdelay $0x1  }
0x76: {  	(v2sf) =	vpush v0, $0x4;
	_ =	sdelay $0x1  }
0x77: {  	(v2sf) =	vpush v0, $0x5;
	_ =	sdelay $0x1  }
0x78: {  	(v2sf) =	vpush v0, $0x6;
	_ =	sdelay $0x1  }
0x79: {  	(v2sf) =	vpush v0, $0x7;
	_ =	sdelay $0x1  }
0x7a: {  	s6 =	spop (v2sf);
	(v2sf) =	vpush v0, $0x8  }
0x7b: {  	s7 =	spop (v2sf)  }
0x7c: {  	(v2sf) =	vpush v0, $0x9;
	p0 =	sgt.s32 s6, s7  }
0x7d: {  	s7 =	smov.u32 @p0 s6;
	s6 =	spop (v2sf)  }
0x7e: {  	(v2sf) =	vpush v0, $0xA;
	p0 =	sgt.s32 s7, s6  }
0x7f: {  	s6 =	smov.u32 @p0 s7;
	s7 =	spop (v2sf)  }
0x80: {  	(v2sf) =	vpush v0, $0xB;
	p0 =	sgt.s32 s6, s7  }
0x81: {  	s7 =	smov.u32 @p0 s6;
	s6 =	spop (v2sf)  }
0x82: {  	(v2sf) =	vpush v0, $0xC;
	p0 =	sgt.s32 s7, s6  }
0x83: {  	s6 =	smov.u32 @p0 s7;
	s7 =	spop (v2sf)  }
0x84: {  	(v2sf) =	vpush v0, $0xD;
	p0 =	sgt.s32 s6, s7  }
0x85: {  	s7 =	smov.u32 @p0 s6;
	s6 =	spop (v2sf)  }
0x86: {  	(v2sf) =	vpush v0, $0xE;
	p0 =	sgt.s32 s7, s6  }
0x87: {  	s6 =	smov.u32 @p0 s7;
	s7 =	spop (v2sf)  }
0x88: {  	(v2sf) =	vpush v0, $0xF;
	p0 =	sgt.s32 s6, s7  }
0x89: {  	s7 =	smov.u32 @p0 s6;
	s6 =	spop (v2sf)  }
0x8a: {  	p0 =	sgt.s32 s7, s6  }
0x8b: {  	s6 =	smov.u32 @p0 s7;
	s7 =	spop (v2sf)  }
0x8c: {  	p0 =	sgt.s32 s6, s7  }
0x8d: {  	s7 =	smov.u32 @p0 s6;
	s6 =	spop (v2sf)  }
0x8e: {  	p0 =	sgt.s32 s7, s6  }
0x8f: {  	s6 =	smov.u32 @p0 s7;
	s7 =	spop (v2sf)  }
0x90: {  	p0 =	sgt.s32 s6, s7  }
0x91: {  	s7 =	smov.u32 @p0 s6;
	s6 =	spop (v2sf)  }
0x92: {  	p0 =	sgt.s32 s7, s6  }
0x93: {  	s6 =	smov.u32 @p0 s7;
	s7 =	spop (v2sf)  }
0x94: {  	p0 =	sgt.s32 s6, s7  }
0x95: {  	s7 =	smov.u32 @p0 s6;
	s6 =	spop (v2sf)  }
0x96: {  	p0 =	sgt.s32 s7, s6  }
0x97: {  	s11 =	spop (v2sf);
	s6 =	smov.u32 @p0 s7  }
0x98: {  	p0 =	sgt.s32 s6, s11  }
0x99: {  	s11 =	smov.u32 @p0 s6  }
.LBB2_5:
0x9a: {  	s6 =	simm.s32 $0x1  }
0x9b: {  	_ =	swait.ge [sflag:s6], $0x1  }
0x9c: {  	[sflag:s6] =	ssyncset.done $0x0  }
0x9d: {  	[sflag:s6] =	ssyncadd.s32 $0xFFFFFFFF  }
0x9e: {  	v0 =	vld [tilespmem:$0x2500];
	_ =	sdelay $0x4  }
0x9f: {  	(v2sf) =	vpush v0, $0x0;
	_ =	sdelay $0xe  }
0xa0: {  	s6 =	spop (v2sf)  }
0xa1: {  	p0 =	sne.s32 s6, $0x0  }
.Ltmp3:
0xa2: {  	_ = 	snop;
	(pc) =	sbr.rel @!p0 .LBB2_6-.Ltmp3, $2  }
0xa3: {  	_ =	sdelay $0x2  }
0xa4: {  	s4 =	sadd.s32 s4, s10  }
0xa5: {  	p0 =	slt.s32 s11, $0x0  }
.Ltmp4:
0xa6: {  	_ = 	snop;
	(pc) =	sbr.rel @p0 .LBB2_7-.Ltmp4, $1  }
0xa7: {  	_ =	sdelay $0x3  }
0xa8: {  	s3 =	sshll.u32 s3, $0x17;
	s5 =	sshll.u32 s5, $0x3;
	s6 =	sshll.u32 s11, $0xA  }
0xa9: {  	s24 =	sshll.u32 s11, $0x7;
	s3 =	sor.u32 s5, s3;
	s23 =	sand.u32 $0xFFFFE000, s6  }
0xaa: {  	s26 =	sshll.u32 s1, $0x6;
	s25 =	sand.u32 $0x380, s24;
	s3 =	sadd.s32 s3, s23  }
0xab: {  	s29 =	simm.s32 $0x1;
	s30 =	simm.s32 $0x40;
	s3 =	sor.u32 s25, s3  }
0xac: {  	s7 =	simm.s32 $0x80;
	s31 =	simm.s32 $0x3;
	s3 =	sshrl.u32 s3, $0x3  }
.Ltmp5:
0xad: {  	s28 =	sor.u32 $0x1C03, s26;
	s2 =	sadd.s32 s2, s3;
	(pc) =	sbr.rel .LBB2_18-.Ltmp5, $4  }
0xae: {  	[hbm:s4@s30], [sflag:s28] =	dma.strided [hbm:s2@s7], $0x40, s29, $0x10   }
0xaf: {  	_ =	swait.ge [sflag:s31], $0x40  }
0xb0: {  	[sflag:s31] =	ssyncset.done $0x0  }
0xb1: {  	[sflag:s31] =	ssyncadd.s32 $0xFFFFFFC0  }
.LBB2_6:
0xb2: {  	v0 =	vimm.f32 $0.0e+00  }
0xb3: {  	[tilespmem:$0x2000] =	vst v0  }
0xb4: {  	[tilespmem:$0x2010] =	vst v0  }
0xb5: {  	[tilespmem:$0x2020] =	vst v0  }
0xb6: {  	[tilespmem:$0x2030] =	vst v0  }
0xb7: {  	[tilespmem:$0x2040] =	vst v0  }
0xb8: {  	[tilespmem:$0x2050] =	vst v0  }
0xb9: {  	[tilespmem:$0x2060] =	vst v0  }
0xba: {  	[tilespmem:$0x2070] =	vst v0  }
0xbb: {  	[tilespmem:$0x2080] =	vst v0  }
0xbc: {  	[tilespmem:$0x2090] =	vst v0  }
0xbd: {  	[tilespmem:$0x20A0] =	vst v0  }
0xbe: {  	[tilespmem:$0x20B0] =	vst v0  }
0xbf: {  	[tilespmem:$0x20C0] =	vst v0  }
0xc0: {  	[tilespmem:$0x20D0] =	vst v0  }
0xc1: {  	[tilespmem:$0x20E0] =	vst v0  }
0xc2: {  	[tilespmem:$0x20F0] =	vst v0  }
0xc3: {  	[tilespmem:$0x2100] =	vst v0  }
0xc4: {  	[tilespmem:$0x2110] =	vst v0  }
0xc5: {  	[tilespmem:$0x2120] =	vst v0  }
0xc6: {  	[tilespmem:$0x2130] =	vst v0  }
0xc7: {  	[tilespmem:$0x2140] =	vst v0  }
0xc8: {  	[tilespmem:$0x2150] =	vst v0  }
0xc9: {  	[tilespmem:$0x2160] =	vst v0  }
0xca: {  	[tilespmem:$0x2170] =	vst v0  }
0xcb: {  	[tilespmem:$0x2180] =	vst v0  }
0xcc: {  	[tilespmem:$0x2190] =	vst v0  }
0xcd: {  	[tilespmem:$0x21A0] =	vst v0  }
0xce: {  	[tilespmem:$0x21B0] =	vst v0  }
0xcf: {  	[tilespmem:$0x21C0] =	vst v0  }
0xd0: {  	[tilespmem:$0x21D0] =	vst v0  }
0xd1: {  	s7 =	simm.s32 $0x80;
	[tilespmem:$0x21E0] =	vst v0  }
0xd2: {  	s8 =	simm.s32 $0x200;
	s9 =	simm.s32 $0x2000;
	s31 =	simm.s32 $0x3;
	[tilespmem:$0x21F0] =	vst v0  }
0xd3: {  	[hbm4b:s4+s7] =	stream.strided.scatter [tilespmem:s9], [sflag:$0x3], $0x200, s8, s7, $0x38;
	[tilespmem:$0x2580] =	vst v63  }
0xd4: {  	_ =	swait.ge [sflag:s31], $0x200  }
0xd5: {  	[sflag:s31] =	ssyncset.done $0x0  }
0xd6: {  	[sflag:s31] =	ssyncadd.s32 $0xFFFFFE00  }
.LBB2_7:
0xd7: {  	p0 =	sgt.s32 s11, $0xFFFFFFFF  }
0xd8: {  	p1 =	seq.s32 @!p0 s6, $0x0  }
0xd9: {  	p0 =	por p0, p1  }
.Ltmp6:
0xda: {  	_ = 	snop;
	(pc) =	sbr.rel @p0 .LBB2_18-.Ltmp6, $1  }
0xdb: {  	_ =	sdelay $0x3  }
0xdc: {  	v0 =	vimm.f32 $0.0e+00  }
0xdd: {  	[tilespmem:$0x2200] =	vst v0  }
0xde: {  	[tilespmem:$0x2210] =	vst v0  }
0xdf: {  	[tilespmem:$0x2220] =	vst v0  }
0xe0: {  	[tilespmem:$0x2230] =	vst v0  }
0xe1: {  	[tilespmem:$0x2240] =	vst v0  }
0xe2: {  	[tilespmem:$0x2250] =	vst v0  }
0xe3: {  	[tilespmem:$0x2260] =	vst v0  }
0xe4: {  	[tilespmem:$0x2270] =	vst v0  }
0xe5: {  	[tilespmem:$0x2280] =	vst v0  }
0xe6: {  	[tilespmem:$0x2290] =	vst v0  }
0xe7: {  	[tilespmem:$0x22A0] =	vst v0  }
0xe8: {  	[tilespmem:$0x22B0] =	vst v0  }
0xe9: {  	[tilespmem:$0x22C0] =	vst v0  }
0xea: {  	[tilespmem:$0x22D0] =	vst v0  }
0xeb: {  	[tilespmem:$0x22E0] =	vst v0  }
0xec: {  	[tilespmem:$0x22F0] =	vst v0  }
0xed: {  	[tilespmem:$0x2300] =	vst v0  }
0xee: {  	[tilespmem:$0x2310] =	vst v0  }
0xef: {  	[tilespmem:$0x2320] =	vst v0  }
0xf0: {  	[tilespmem:$0x2330] =	vst v0  }
0xf1: {  	[tilespmem:$0x2340] =	vst v0  }
0xf2: {  	[tilespmem:$0x2350] =	vst v0  }
0xf3: {  	[tilespmem:$0x2360] =	vst v0  }
0xf4: {  	[tilespmem:$0x2370] =	vst v0  }
0xf5: {  	[tilespmem:$0x2380] =	vst v0  }
0xf6: {  	[tilespmem:$0x2390] =	vst v0  }
0xf7: {  	[tilespmem:$0x23A0] =	vst v0  }
0xf8: {  	[tilespmem:$0x23B0] =	vst v0  }
0xf9: {  	[tilespmem:$0x23C0] =	vst v0  }
0xfa: {  	s3 =	sshll.u32 s3, $0x14;
	s6 =	simm.s32 $0x400;
	[tilespmem:$0x23D0] =	vst v0  }
0xfb: {  	s7 =	simm.s32 $0x2000;
	s8 =	simm.s32 $0x3;
	s2 =	sadd.s32 s2, s3;
	[tilespmem:$0x23E0] =	vst v0  }
0xfc: {  	s3 =	simm.s32 $0x0;
	[tilespmem:$0x23F0] =	vst v0;
	s2 =	sadd.s32 s5, s2;
	s5 =	simm.s32 $0x80  }
.LBB2_12:
0xfd: {  	s9 =	sshll.u32 s3, $0x7  }
0xfe: {  	s10 =	sshll.u32 s3, $0x4;
	s9 =	sand.u32 $0xFFC00, s9  }
0xff: {  	s10 =	sand.u32 $0x70, s10;
	s9 =	sadd.s32 s9, s2  }
0x100: {  	s9 =	sadd.s32 s10, s9  }
0x101: {  	[tilespmem:s7], [sflag:$0x3] =	stream.strided.gather [hbm4b:s9+s5], $0x200, s6, s5, $0x38;
	[tilespmem:$0x2580] =	vst v63  }
0x102: {  	_ =	swait.ge [sflag:s8], $0x200  }
0x103: {  	[sflag:s8] =	ssyncset.done $0x0  }
0x104: {  	s9 =	simm.s32 $0x0;
	[sflag:s8] =	ssyncadd.s32 $0xFFFFFE00  }
0x105: {  	v1 =	vld [tilespmem:s9+$0x2000]  }
0x106: {  	s3 =	sadd.s32 $0x1, s3  }
0x107: {  	s31 =	scvt.s32.f32 s3;
	v2 =	vld [tilespmem:s9+$0x2200];
	_ =	sdelay $0x1  }
0x108: {  	v0 =	vmov s31  }
0x109: {  	v1 =	vmul.f32 v1, v0;
	_ =	sdelay $0x1  }
0x10a: {  	s11 =	simm.s32 $0x10;
	s10 =	simm.s32 $0x80;
	v1 =	vadd.f32 v1, v2  }
.LBB2_13:
0x10b: {  	p0 =	seq.s32 s10, $0x7C0;
	v2 =	vld [tilespmem:s11+$0x2000]  }
0x10c: {  	[tilespmem:s9+$0x2200] =	vst v1;
	s9 =	smov.u32 s11  }
0x10d: {  	v1 =	vld [tilespmem:s9+$0x2200]  }
.Ltmp7:
0x10e: {  	(pc) =	sbr.rel @!p0 .LBB2_13-.Ltmp7, $3  }
0x10f: {  	_ = 	snop  }
0x110: {  	v2 =	vmul.f32 v2, v0;
	_ =	sdelay $0x1  }
0x111: {  	s11 =	sshra.s32 s10, $0x2;
	s10 =	sadd.s32 $0x40, s10;
	v1 =	vadd.f32 v2, v1  }
0x112: {  	v2 =	vld [tilespmem:s11+$0x2000]  }
0x113: {  	[tilespmem:s9+$0x2200] =	vst v1  }
0x114: {  	v1 =	vld [tilespmem:s11+$0x2200];
	_ =	sdelay $0x2  }
0x115: {  	v0 =	vmul.f32 v2, v0;
	_ =	sdelay $0x1  }
0x116: {  	v0 =	vadd.f32 v0, v1;
	_ =	sdelay $0x1  }
0x117: {  	[tilespmem:s11+$0x2200] =	vst v0  }
0x118: {  	p0 =	seq.s32 s3, $0x2000  }
.Ltmp8:
0x119: {  	_ = 	snop;
	(pc) =	sbr.rel @!p0 .LBB2_12-.Ltmp8, $1  }
0x11a: {  	_ =	sdelay $0x3  }
0x11b: {  	s2 =	simm.s32 $0x0;
	s3 =	simm.s32 $0x40  }
.LBB2_16:
0x11c: {  	p0 =	sne.s32 s3, $0x7C0;
	v0 =	vld [tilespmem:s2+$0x2200];
	_ =	sdelay $0x2  }
.Ltmp9:
0x11d: {  	(pc) =	sbr.rel @p0 .LBB2_16-.Ltmp9, $3  }
0x11e: {  	_ = 	snop  }
0x11f: {  	v0 =	vmul.f32 $1.220703130e-04, v0;
	_ =	sdelay $0x1  }
0x120: {  	[tilespmem:s2+$0x2200] =	vst v0;
	s2 =	sshra.s32 s3, $0x2;
	s3 =	sadd.s32 $0x40, s3  }
0x121: {  	v0 =	vld [tilespmem:s2+$0x2200];
	_ =	sdelay $0x4  }
0x122: {  	v0 =	vmul.f32 $1.220703130e-04, v0  }
0x123: {  	s30 =	simm.s32 $0x80  }
0x124: {  	s3 =	simm.s32 $0x200;
	s5 =	simm.s32 $0x2200;
	s31 =	simm.s32 $0x3;
	[tilespmem:s2+$0x2200] =	vst v0  }
0x125: {  	[hbm4b:s4+s30] =	stream.strided.scatter [tilespmem:s5], [sflag:$0x3], $0x200, s3, s30, $0x38;
	[tilespmem:$0x2580] =	vst v63  }
0x126: {  	_ =	swait.ge [sflag:s31], $0x200  }
0x127: {  	[sflag:s31] =	ssyncset.done $0x0  }
0x128: {  	[sflag:s31] =	ssyncadd.s32 $0xFFFFFE00  }
.LBB2_18:
0x129: {  	_ =	sfence.sel $0x180000  }
0x12a: {  	[bflag:$0x0] =	sbarrier.arrive $0xFFFF  }
0x12b: {  	p0 =	sne.s32 s1, $0x0;
	_ =	strace $0x90000047  }
0x12c: {  	s0 =	sadd.s32 @!p0 $0x100000, s0;
	[bflag:$0x2] =	sbarrier.arrive $0xFFFF  }
0x12d: {  	[sflag:s0] =	ssyncadd.tile.s32 @!p0 $0x1;
	_ =	shalt  }
.Lfunc_end2:
_tile_overlayer_lowered:
.L_overlay_start_2:
0x12e: {  	(tag) =	ssettag $0x2  }
0x12f: {  	s0 =	rddreg [dreg:$0x0];
	s2 =	stileid.u32  }
0x130: {  	s1 =	rddreg [dreg:$0x1];
	p0 =	sne.s32 s2, $0x0  }
0x131: {  	s3 =	rddreg [dreg:$0x2];
	[bflag:$0x3] =	sbarrier.arrive $0xFFFF;
	s2 =	simm.s32 @!p0 $0x1C03  }
0x132: {  	[timem:s3], [sflag:s2] =	dma.local @!p0 [hbm:s0], s1  }
0x133: {  	s0 =	simm.s32 @!p0 $0x3  }
0x134: {  	_ =	swait.ge @!p0 [sflag:s0], s1  }
0x135: {  	s1 =	ssub.s32 @!p0 $0x0, s1;
	[sflag:s0] =	ssyncset.done @!p0 $0x0  }
0x136: {  	[sflag:s0] =	ssyncadd.s32 @!p0 s1  }
0x137: {  	[bflag:$0x3] =	sbarrier.arrive $0xFFFF  }
0x138: {  	_ =	shalt  }

</sc_bundles>
